<compile_context>
chip_gen: v7x
topology: tpu7x:2x2x1
jax: 0.10.2.dev20260603
libtpu: 0.0.44.dev20260713+nightly
codegen_flags: <defaults>
</compile_context>

<pallas_src>
import functools

import jax
import jax.numpy as jnp
from jax import lax
from jax.experimental import pallas as pl
from jax.experimental.pallas import tpu as pltpu
from jax.experimental.pallas import tpu_sc as plsc

N_NODE = 10000
E = 320000
D = 128
QPAD = 10240

NC = 2
NS = 16
NW = NC * NS
K = 128
ECH = E // K
QCH = QPAD // K
WB_TILES = 10
WB_ROWS = N_NODE // WB_TILES

EB = 2000
F32 = jnp.float32


def _qr_body(qrel_hbm, rela_hbm, qr_out, idx_v, rows_v, sem):
    cid = lax.axis_index("c")
    sid = lax.axis_index("s")
    wid = sid * NC + cid

    def chunk(ci, carry):
        off = ci * K
        pltpu.sync_copy(qrel_hbm.at[pl.ds(off, K)], idx_v)
        pltpu.async_copy(rela_hbm.at[idx_v], rows_v, sem).wait()
        pltpu.sync_copy(rows_v, qr_out.at[pl.ds(off, K)])
        return carry

    lax.fori_loop((wid * QCH) // NW, ((wid + 1) * QCH) // NW, chunk, 0)


_qr_gather = functools.partial(
    pl.kernel,
    out_type=jax.ShapeDtypeStruct((QPAD, D), F32),
    mesh=plsc.VectorSubcoreMesh(core_axis_name="c", subcore_axis_name="s"),
    scratch_types=[
        pltpu.VMEM((K,), jnp.int32),
        pltpu.VMEM((K, D), F32),
        pltpu.SemaphoreType.DMA,
    ],
)(_qr_body)


def _gather_body(sub_hbm, e2_hbm, ridx_hbm, hidden_hbm, rela_hbm, qr_hbm,
                 hs_out, hr_out, hqr_out,
                 idx1, idx2, idx3, rows1, rows2, rows3, sem, semi):
    cid = lax.axis_index("c")
    sid = lax.axis_index("s")
    wid = sid * NC + cid

    def chunk(ci, carry):
        off = ci * K
        i1 = pltpu.async_copy(sub_hbm.at[pl.ds(off, K)], idx1, semi)
        i2 = pltpu.async_copy(e2_hbm.at[pl.ds(off, K)], idx2, semi)
        i3 = pltpu.async_copy(ridx_hbm.at[pl.ds(off, K)], idx3, semi)
        i1.wait()
        i2.wait()
        i3.wait()
        c1 = pltpu.async_copy(hidden_hbm.at[idx1], rows1, sem)
        c2 = pltpu.async_copy(rela_hbm.at[idx2], rows2, sem)
        c3 = pltpu.async_copy(qr_hbm.at[idx3], rows3, sem)
        c1.wait()
        pltpu.sync_copy(rows1, hs_out.at[pl.ds(off, K)])
        c2.wait()
        pltpu.sync_copy(rows2, hr_out.at[pl.ds(off, K)])
        c3.wait()
        pltpu.sync_copy(rows3, hqr_out.at[pl.ds(off, K)])
        return carry

    lax.fori_loop((wid * ECH) // NW, ((wid + 1) * ECH) // NW, chunk, 0)


_gather = functools.partial(
    pl.kernel,
    out_type=[jax.ShapeDtypeStruct((E, D), F32)] * 3,
    mesh=plsc.VectorSubcoreMesh(core_axis_name="c", subcore_axis_name="s"),
    scratch_types=[
        pltpu.VMEM((K,), jnp.int32),
        pltpu.VMEM((K,), jnp.int32),
        pltpu.VMEM((K,), jnp.int32),
        pltpu.VMEM((K, D), F32),
        pltpu.VMEM((K, D), F32),
        pltpu.VMEM((K, D), F32),
        pltpu.SemaphoreType.DMA,
        pltpu.SemaphoreType.DMA,
    ],
)(_gather_body)


def _msg_scatter_body(up_hbm, obj_hbm, zeros_hbm, msg_part,
                      rows_v, idx_v, sem, msg_acc):
    cid = lax.axis_index("c")
    sid = lax.axis_index("s")
    wid = sid * NC + cid

    @pl.when(sid == 0)
    def _():
        pltpu.sync_copy(zeros_hbm, msg_acc)

    plsc.subcore_barrier()

    def chunk(ci, carry):
        off = ci * K
        pltpu.sync_copy(up_hbm.at[pl.ds(off, K)], rows_v)
        pltpu.sync_copy(obj_hbm.at[pl.ds(off, K)], idx_v)
        pltpu.sync_copy(rows_v, msg_acc.at[idx_v], add=True)
        return carry

    lax.fori_loop((wid * ECH) // NW, ((wid + 1) * ECH) // NW, chunk, 0)
    plsc.subcore_barrier()

    @pl.when(sid == 0)
    def _():
        pltpu.sync_copy(msg_acc, msg_part.at[cid])


_msg_scatter = functools.partial(
    pl.kernel,
    out_type=jax.ShapeDtypeStruct((NC, N_NODE, D), F32),
    mesh=plsc.VectorSubcoreMesh(core_axis_name="c", subcore_axis_name="s"),
    scratch_types=[
        pltpu.VMEM((K, D), F32),
        pltpu.VMEM((K,), jnp.int32),
        pltpu.SemaphoreType.DMA,
        pltpu.VMEM_SHARED((N_NODE, D), F32),
    ],
)(_msg_scatter_body)


def _deg_scatter_body(obj_hbm, zeros_hbm, ones_hbm, deg_part,
                      idx_v, ones_v, sem, deg_acc):
    cid = lax.axis_index("c")
    sid = lax.axis_index("s")
    wid = sid * NC + cid

    @pl.when(sid == 0)
    def _():
        pltpu.sync_copy(zeros_hbm, deg_acc)

    pltpu.sync_copy(ones_hbm, ones_v)
    plsc.subcore_barrier()

    def chunk(ci, carry):
        off = ci * K
        pltpu.sync_copy(obj_hbm.at[pl.ds(off, K)], idx_v)
        pltpu.sync_copy(ones_v, deg_acc.at[idx_v], add=True)
        return carry

    lax.fori_loop((wid * ECH) // NW, ((wid + 1) * ECH) // NW, chunk, 0)
    plsc.subcore_barrier()

    @pl.when(sid == 0)
    def _():
        pltpu.sync_copy(deg_acc, deg_part.at[cid])


_deg_scatter = functools.partial(
    pl.kernel,
    out_type=jax.ShapeDtypeStruct((NC, N_NODE, D), F32),
    mesh=plsc.VectorSubcoreMesh(core_axis_name="c", subcore_axis_name="s"),
    scratch_types=[
        pltpu.VMEM((K,), jnp.int32),
        pltpu.VMEM((K, D), F32),
        pltpu.SemaphoreType.DMA,
        pltpu.VMEM_SHARED((N_NODE, D), F32),
    ],
)(_deg_scatter_body)


def _dense_body(hs_ref, hr_ref, hqr_ref, gwr_ref, gwq_ref, gws_ref, gb_ref,
                ht1_ref, ht2_ref, htb_ref, ws_ref, wr_ref, wqr_ref, wqrb_ref,
                wa_ref, out_ref):
    hs = hs_ref[...]
    hr = hr_ref[...]
    hqr = hqr_ref[...]
    gp = (jnp.dot(hr, gwr_ref[...], preferred_element_type=F32)
          + jnp.dot(hqr, gwq_ref[...], preferred_element_type=F32)
          + jnp.dot(hs, gws_ref[...], preferred_element_type=F32)
          + gb_ref[...])
    g = jax.nn.sigmoid(gp)
    u = g[:, :D]
    r = g[:, D:]
    hc = jnp.tanh(jnp.dot(hr, ht1_ref[...], preferred_element_type=F32)
                  + jnp.dot(r * hs, ht2_ref[...], preferred_element_type=F32)
                  + htb_ref[...])
    ap = (jnp.dot(hs, ws_ref[...], preferred_element_type=F32)
          + jnp.dot(hr, wr_ref[...], preferred_element_type=F32)
          + jnp.dot(hqr, wqr_ref[...], preferred_element_type=F32)
          + wqrb_ref[...])
    lr = jnp.where(ap >= 0.0, ap, 0.01 * ap)
    al = jnp.sum(lr * wa_ref[...], axis=1, keepdims=True)
    att = jax.nn.sigmoid(al)
    out_ref[...] = att * ((1.0 - u) * hs + u * hc)


def _edge_spec():
    return pl.BlockSpec((EB, D), lambda i: (i, 0))


def _w_spec(shape):
    return pl.BlockSpec(shape, lambda i: (0, 0))


_dense = pl.pallas_call(
    _dense_body,
    grid=(E // EB,),
    in_specs=[_edge_spec(), _edge_spec(), _edge_spec(),
              _w_spec((D, 2 * D)), _w_spec((D, 2 * D)), _w_spec((D, 2 * D)),
              _w_spec((1, 2 * D)),
              _w_spec((D, D)), _w_spec((D, D)), _w_spec((1, D)),
              _w_spec((D, D)), _w_spec((D, D)), _w_spec((D, D)),
              _w_spec((1, D)), _w_spec((1, D))],
    out_specs=_edge_spec(),
    out_shape=jax.ShapeDtypeStruct((E, D), F32),
)


def _final_body(msg_ref, deg_ref, wh_ref, out_ref):
    agg = msg_ref[0] + msg_ref[1]
    deg = deg_ref[0, :, 0:1] + deg_ref[1, :, 0:1]
    scale = lax.rsqrt(deg + 1e-4)
    out_ref[...] = jnp.dot(agg * scale, wh_ref[...],
                           preferred_element_type=F32)


_FB = 1000
_final = pl.pallas_call(
    _final_body,
    grid=(N_NODE // _FB,),
    in_specs=[pl.BlockSpec((NC, _FB, D), lambda i: (0, i, 0)),
              pl.BlockSpec((NC, _FB, D), lambda i: (0, i, 0)),
              pl.BlockSpec((D, D), lambda i: (0, 0))],
    out_specs=pl.BlockSpec((_FB, D), lambda i: (i, 0)),
    out_shape=jax.ShapeDtypeStruct((N_NODE, D), F32),
)


def kernel(q_sub, q_rel, hidden, edges, n_node, rela_embed, Ws_W, Wr_W,
           Wqr_W, Wqr_b, walpha_W, gate_W, gate_b, ht_W, ht_b, Wh_W):
    del q_sub, n_node
    edges = edges.astype(jnp.int32)
    sub = edges[:, 4]
    obj = edges[:, 5]
    ridx = edges[:, 0]
    e2 = edges[:, 2]
    q_rel = jnp.pad(q_rel.astype(jnp.int32), (0, QPAD - q_rel.shape[0]))

    qr_embed = _qr_gather(q_rel, rela_embed)
    hs, hr, hqr = _gather(sub, e2, ridx, hidden, rela_embed, qr_embed)

    gwr = gate_W[:D]
    gwq = gate_W[D:2 * D]
    gws = gate_W[2 * D:]
    up_msg = _dense(hs, hr, hqr, gwr, gwq, gws, gate_b.reshape(1, 2 * D),
                    ht_W[:D], ht_W[D:], ht_b.reshape(1, D),
                    Ws_W, Wr_W, Wqr_W, Wqr_b.reshape(1, D),
                    walpha_W.reshape(1, D))

    zeros = jnp.zeros((N_NODE, D), F32)
    ones_blk = jnp.ones((K, D), F32)
    msg_part = _msg_scatter(up_msg, obj, zeros)
    deg_part = _deg_scatter(obj, zeros, ones_blk)

    return _final(msg_part, deg_part, Wh_W)

# --- scband reference (transcript-rebuilt; emitter-appended) ---
"""Pipeline reference for scband-gnnlayer6-39410619908404 (READ-ONLY COPY).

The authoritative reference and input builder live on the scoring server;
editing this copy changes nothing except your own understanding.
"""

import jax, jax.numpy as jnp
import numpy as np

N_NODE = 10000
E = 320000
IN_DIM = 128
ATTN_DIM = 128
OUT_DIM = 128
N_REL = 5000
B = 10000


def setup_inputs(seed: int = 0) -> dict:
    key = jax.random.key(seed)
    k = jax.random.split(key, 20)
    s = 0.05
    inp = {}
    inp['q_sub'] = jax.random.randint(k[0], (B,), 0, N_NODE)
    inp['q_rel'] = jax.random.randint(k[1], (B,), 0, 2 * N_REL + 1)
    inp['hidden'] = jax.random.normal(k[2], (N_NODE, IN_DIM), dtype=jnp.float32)
    inp['edges'] = jax.random.randint(k[3], (E, 7), 0, N_NODE)
    inp['n_node'] = N_NODE
    # learned parameters (Linear weights stored as [in, out]; y = x @ W + b)
    inp['rela_embed'] = jax.random.normal(k[4], (2 * N_REL + 1, IN_DIM), dtype=jnp.float32) * s
    inp['Ws_W'] = jax.random.normal(k[5], (IN_DIM, ATTN_DIM), dtype=jnp.float32) * s
    inp['Wr_W'] = jax.random.normal(k[6], (IN_DIM, ATTN_DIM), dtype=jnp.float32) * s
    inp['Wqr_W'] = jax.random.normal(k[7], (IN_DIM, ATTN_DIM), dtype=jnp.float32) * s
    inp['Wqr_b'] = jax.random.normal(k[8], (ATTN_DIM,), dtype=jnp.float32) * s
    inp['walpha_W'] = jax.random.normal(k[9], (ATTN_DIM, 1), dtype=jnp.float32) * s
    inp['gate_W'] = jax.random.normal(k[10], (3 * IN_DIM, 2 * IN_DIM), dtype=jnp.float32) * s
    inp['gate_b'] = jax.random.normal(k[11], (2 * IN_DIM,), dtype=jnp.float32) * s
    inp['ht_W'] = jax.random.normal(k[12], (2 * IN_DIM, IN_DIM), dtype=jnp.float32) * s
    inp['ht_b'] = jax.random.normal(k[13], (IN_DIM,), dtype=jnp.float32) * s
    inp['Wh_W'] = jax.random.normal(k[14], (IN_DIM, OUT_DIM), dtype=jnp.float32) * s
    return inp


def reference(q_sub, q_rel, hidden, edges, n_node, rela_embed, Ws_W, Wr_W, Wqr_W, Wqr_b, walpha_W, gate_W, gate_b, ht_W, ht_b, Wh_W):
    sub = edges[:, 4]
    obj = edges[:, 5]
    r_idx = edges[:, 0]
    # unique over (rel, time) pairs, then gather back (faithful to torch unique(dim=0))
    pairs = edges[:, jnp.array([2, 6])]
    output, reverse_indexes = jnp.unique(pairs, axis=0, return_inverse=True,
                                         size=pairs.shape[0], fill_value=0)
    reverse_indexes = jnp.asarray(reverse_indexes).reshape(-1)
    temp_rel_emb = rela_embed[output[:, 0]]
    hr = temp_rel_emb[reverse_indexes]
    hs = hidden[sub]
    h_qr = rela_embed[q_rel][r_idx]
    # GateUnit
    factors = jnp.concatenate([hr, h_qr, hs], axis=1)
    gates = jax.nn.sigmoid(factors @ gate_W + gate_b)
    update_value, reset_value = jnp.split(gates, 2, axis=1)
    hidden_candidate = jnp.tanh(jnp.concatenate([hr, reset_value * hs], axis=1) @ ht_W + ht_b)
    message = (1.0 - update_value) * hs + update_value * hidden_candidate
    # attention
    alpha_pre = hs @ Ws_W + hr @ Wr_W + (h_qr @ Wqr_W + Wqr_b)
    alpha = jax.nn.leaky_relu(alpha_pre, negative_slope=0.01) @ walpha_W
    sigmoid_attention = jax.nn.sigmoid(alpha)
    up_message = sigmoid_attention * message
    # scatter-add aggregation by destination node
    num_nodes = hidden.shape[0]
    message_agg = jax.ops.segment_sum(up_message, obj, num_segments=num_nodes)
    ones = jnp.ones((up_message.shape[0], 1), dtype=jnp.float32)
    degrees = jax.ops.segment_sum(ones, obj, num_segments=num_nodes)
    degrees = degrees + jnp.asarray(n_node - n_node, dtype=jnp.float32)
    message_agg = message_agg / jnp.sqrt(degrees + 0.0001)
    hidden_new = message_agg @ Wh_W  # act = identity
    return hidden_new

if __name__ == "__main__":
    import jax
    _d = setup_inputs()
    print(jax.jit(kernel)(*tuple(_d.values())))

</pallas_src>

<mosaic_0001>
#map = affine_map<(d0, d1) -> (0)>
#map1 = affine_map<(d0, d1) -> (0, 0)>
#map2 = affine_map<(d0, d1) -> (0, 0, 0)>
module attributes {stable_mosaic.version = 14 : i64} {
  func.func @_deg_scatter_body(%arg0: i32, %arg1: i32, %arg2: memref<320000xi32, #tpu.memory_space<hbm>>, %arg3: memref<10000x128xf32, #tpu.memory_space<hbm>>, %arg4: memref<128x128xf32, #tpu.memory_space<hbm>>, %arg5: memref<2x10000x128xf32, #tpu.memory_space<hbm>>, %arg6: memref<128xi32, #tpu.memory_space<vmem>>, %arg7: memref<128x128xf32, #tpu.memory_space<vmem>>, %arg8: memref<!tpu.dma_semaphore, #tpu.memory_space<semaphore_mem>>, %arg9: memref<10000x128xf32, #tpu.memory_space<vmem_shared>>) attributes {dimension_semantics = [#tpu.dimension_semantics<core_parallel>, #tpu.dimension_semantics<subcore_parallel>], iteration_bounds = array<i64: 2, 16>, scalar_prefetch = 0 : i64, scratch_operands = 4 : i64, tpu.core_type = #tpu.core_type<sc_vector_subcore>, window_params = [{transform_indices = #map}, {transform_indices = #map1}, {transform_indices = #map1}, {transform_indices = #map2}]} {
    %mul3A = arith.constant 2 : i32
    %mul3A_0 = arith.muli %arg1, %mul3A : i32
    %add3A = arith.addi %mul3A_0, %arg0 : i32
    %eq3A = arith.constant 0 : i32
    %eq3A_1 = arith.cmpi eq, %arg1, %eq3A : i32
    %convert_element_type3A = arith.extui %eq3A_1 : i1 to i32
    %cond3A = arith.constant 0 : i32
    %cond3A_2 = arith.cmpi ne, %convert_element_type3A, %cond3A : i32
    scf.if %cond3A_2 {
      "tpu.region"() ({
        %run_scoped3A = tpu.sem_alloc : memref<!tpu.dma_semaphore, #tpu.memory_space<semaphore_mem>>
        tpu.enqueue_dma source(%arg3 : memref<10000x128xf32, #tpu.memory_space<hbm>>) target(%arg9 : memref<10000x128xf32, #tpu.memory_space<vmem_shared>>) target_semaphore(%run_scoped3A : memref<!tpu.dma_semaphore, #tpu.memory_space<semaphore_mem>>)
        tpu.wait_dma2 semaphore(%run_scoped3A : memref<!tpu.dma_semaphore, #tpu.memory_space<semaphore_mem>>) src(%arg3 : memref<10000x128xf32, #tpu.memory_space<hbm>>) dst(%arg9 : memref<10000x128xf32, #tpu.memory_space<vmem_shared>>)
        tpu.yield
      }) : () -> ()
    } else {
    }
    "tpu.region"() ({
      %run_scoped3A = tpu.sem_alloc : memref<!tpu.dma_semaphore, #tpu.memory_space<semaphore_mem>>
      tpu.enqueue_dma source(%arg4 : memref<128x128xf32, #tpu.memory_space<hbm>>) target(%arg7 : memref<128x128xf32, #tpu.memory_space<vmem>>) target_semaphore(%run_scoped3A : memref<!tpu.dma_semaphore, #tpu.memory_space<semaphore_mem>>)
      tpu.wait_dma2 semaphore(%run_scoped3A : memref<!tpu.dma_semaphore, #tpu.memory_space<semaphore_mem>>) src(%arg4 : memref<128x128xf32, #tpu.memory_space<hbm>>) dst(%arg7 : memref<128x128xf32, #tpu.memory_space<vmem>>)
      tpu.yield
    }) : () -> ()
    %barrier3A = arith.constant 0 : index
    tpu.barrier barrier_id(%barrier3A)
    %mul3A_3 = arith.constant 2500 : i32
    %mul3A_4 = arith.muli %add3A, %mul3A_3 : i32
    %jit3A = arith.constant 32 : i32
    %div3A = arith.divsi %mul3A_4, %jit3A : i32
    %sign3A = arith.constant 0 : i32
    %sign3A_5 = arith.cmpi sgt, %mul3A_4, %sign3A : i32
    %sign3A_6 = arith.extui %sign3A_5 : i1 to i32
    %sign3A_7 = arith.constant 0 : i32
    %sign3A_8 = arith.cmpi slt, %mul3A_4, %sign3A_7 : i32
    %sign3A_9 = arith.extui %sign3A_8 : i1 to i32
    %sign3A_10 = arith.subi %sign3A_6, %sign3A_9 : i32
    %sign3A_11 = arith.constant 0 : i32
    %sign3A_12 = arith.cmpi sgt, %jit3A, %sign3A_11 : i32
    %sign3A_13 = arith.extui %sign3A_12 : i1 to i32
    %sign3A_14 = arith.constant 0 : i32
    %sign3A_15 = arith.cmpi slt, %jit3A, %sign3A_14 : i32
    %sign3A_16 = arith.extui %sign3A_15 : i1 to i32
    %sign3A_17 = arith.subi %sign3A_13, %sign3A_16 : i32
    %ne3A = arith.cmpi ne, %sign3A_10, %sign3A_17 : i32
    %rem3A = arith.remsi %mul3A_4, %jit3A : i32
    %ne3A_18 = arith.constant 0 : i32
    %ne3A_19 = arith.cmpi ne, %rem3A, %ne3A_18 : i32
    %and3A = arith.andi %ne3A, %ne3A_19 : i1
    %sub3A = arith.constant 1 : i32
    %sub3A_20 = arith.subi %div3A, %sub3A : i32
    %select_n3A = arith.select %and3A, %sub3A_20, %div3A : i32
    %add3A_21 = arith.constant 1 : i32
    %add3A_22 = arith.addi %add3A, %add3A_21 : i32
    %mul3A_23 = arith.constant 2500 : i32
    %mul3A_24 = arith.muli %add3A_22, %mul3A_23 : i32
    %jit3A_25 = arith.constant 32 : i32
    %div3A_26 = arith.divsi %mul3A_24, %jit3A_25 : i32
    %sign3A_27 = arith.constant 0 : i32
    %sign3A_28 = arith.cmpi sgt, %mul3A_24, %sign3A_27 : i32
    %sign3A_29 = arith.extui %sign3A_28 : i1 to i32
    %sign3A_30 = arith.constant 0 : i32
    %sign3A_31 = arith.cmpi slt, %mul3A_24, %sign3A_30 : i32
    %sign3A_32 = arith.extui %sign3A_31 : i1 to i32
    %sign3A_33 = arith.subi %sign3A_29, %sign3A_32 : i32
    %sign3A_34 = arith.constant 0 : i32
    %sign3A_35 = arith.cmpi sgt, %jit3A_25, %sign3A_34 : i32
    %sign3A_36 = arith.extui %sign3A_35 : i1 to i32
    %sign3A_37 = arith.constant 0 : i32
    %sign3A_38 = arith.cmpi slt, %jit3A_25, %sign3A_37 : i32
    %sign3A_39 = arith.extui %sign3A_38 : i1 to i32
    %sign3A_40 = arith.subi %sign3A_36, %sign3A_39 : i32
    %ne3A_41 = arith.cmpi ne, %sign3A_33, %sign3A_40 : i32
    %rem3A_42 = arith.remsi %mul3A_24, %jit3A_25 : i32
    %ne3A_43 = arith.constant 0 : i32
    %ne3A_44 = arith.cmpi ne, %rem3A_42, %ne3A_43 : i32
    %and3A_45 = arith.andi %ne3A_41, %ne3A_44 : i1
    %sub3A_46 = arith.constant 1 : i32
    %sub3A_47 = arith.subi %div3A_26, %sub3A_46 : i32
    %select_n3A_48 = arith.select %and3A_45, %sub3A_47, %div3A_26 : i32
    %while3A = arith.constant 0 : i32
    %while3A_49 = arith.subi %select_n3A_48, %select_n3A : i32
    %while3A_50 = arith.addi %select_n3A, %while3A_49 : i32
    %while3A_51 = arith.constant 1 : i32
    %while3A_52 = arith.divsi %while3A_49, %while3A_51 : i32
    %while3A_53 = arith.muli %while3A_52, %while3A_51 : i32
    %while3A_54 = arith.addi %select_n3A, %while3A_53 : i32
    %while3A_55 = arith.constant 1 : i32
    scf.for %while3A_63 = %select_n3A to %while3A_54 step %while3A_55  : i32 {
      %mul3A_64 = arith.constant 128 : i32
      %mul3A_65 = arith.muli %while3A_63, %mul3A_64 : i32
      "tpu.region"() ({
        %run_scoped3A = tpu.sem_alloc : memref<!tpu.dma_semaphore, #tpu.memory_space<semaphore_mem>>
        %dma_start3A = tpu.memref_slice %arg2[%mul3A_65] : memref<320000xi32, #tpu.memory_space<hbm>> -> memref<128xi32, #tpu.memory_space<hbm>>
        %dma_start3A_66 = tpu.memref_slice %arg2[%mul3A_65] : memref<320000xi32, #tpu.memory_space<hbm>> -> memref<128xi32, #tpu.memory_space<hbm>>
        tpu.enqueue_dma source(%dma_start3A_66 : memref<128xi32, #tpu.memory_space<hbm>>) target(%arg6 : memref<128xi32, #tpu.memory_space<vmem>>) target_semaphore(%run_scoped3A : memref<!tpu.dma_semaphore, #tpu.memory_space<semaphore_mem>>)
        %dma_wait3A = tpu.memref_slice %arg2[%mul3A_65] : memref<320000xi32, #tpu.memory_space<hbm>> -> memref<128xi32, #tpu.memory_space<hbm>>
        %dma_wait3A_67 = tpu.memref_slice %arg2[%mul3A_65] : memref<320000xi32, #tpu.memory_space<hbm>> -> memref<128xi32, #tpu.memory_space<hbm>>
        tpu.wait_dma2 semaphore(%run_scoped3A : memref<!tpu.dma_semaphore, #tpu.memory_space<semaphore_mem>>) src(%dma_wait3A_67 : memref<128xi32, #tpu.memory_space<hbm>>) dst(%arg6 : memref<128xi32, #tpu.memory_space<vmem>>)
        tpu.yield
      }) : () -> ()
      "tpu.region"() ({
        %run_scoped3A = tpu.sem_alloc : memref<!tpu.dma_semaphore, #tpu.memory_space<semaphore_mem>>
        %dma_start3A = arith.constant 0 : i32
        %dma_start3A_66 = arith.constant 0 : i32
        %dma_start3A_67 = tpu.memref_slice %arg9[%dma_start3A, %dma_start3A_66] : memref<10000x128xf32, #tpu.memory_space<vmem_shared>> -> memref<10000x128xf32, #tpu.memory_space<vmem_shared>>
        tpu.enqueue_indirect_dma source(%arg7 : memref<128x128xf32, #tpu.memory_space<vmem>>) target(%dma_start3A_67 : memref<10000x128xf32, #tpu.memory_space<vmem_shared>>) offsets(%arg6 : memref<128xi32, #tpu.memory_space<vmem>>) semaphore(%run_scoped3A : memref<!tpu.dma_semaphore, #tpu.memory_space<semaphore_mem>>) {add = true}
        %dma_wait3A = arith.constant 0 : i32
        %dma_wait3A_68 = arith.constant 0 : i32
        %dma_wait3A_69 = tpu.memref_slice %arg9[%dma_wait3A, %dma_wait3A_68] : memref<10000x128xf32, #tpu.memory_space<vmem_shared>> -> memref<10000x128xf32, #tpu.memory_space<vmem_shared>>
        tpu.wait_indirect_dma semaphore(%run_scoped3A : memref<!tpu.dma_semaphore, #tpu.memory_space<semaphore_mem>>) src(%arg7 : memref<128x128xf32, #tpu.memory_space<vmem>>) dst(%dma_wait3A_69 : memref<10000x128xf32, #tpu.memory_space<vmem_shared>>)
        tpu.yield
      }) : () -> ()
    }
    %while3A_56 = arith.constant 1 : i32
    scf.for %while3A_63 = %while3A_54 to %while3A_50 step %while3A_56  : i32 {
      %mul3A_64 = arith.constant 128 : i32
      %mul3A_65 = arith.muli %while3A_63, %mul3A_64 : i32
      "tpu.region"() ({
        %run_scoped3A = tpu.sem_alloc : memref<!tpu.dma_semaphore, #tpu.memory_space<semaphore_mem>>
        %dma_start3A = tpu.memref_slice %arg2[%mul3A_65] : memref<320000xi32, #tpu.memory_space<hbm>> -> memref<128xi32, #tpu.memory_space<hbm>>
        %dma_start3A_66 = tpu.memref_slice %arg2[%mul3A_65] : memref<320000xi32, #tpu.memory_space<hbm>> -> memref<128xi32, #tpu.memory_space<hbm>>
        tpu.enqueue_dma source(%dma_start3A_66 : memref<128xi32, #tpu.memory_space<hbm>>) target(%arg6 : memref<128xi32, #tpu.memory_space<vmem>>) target_semaphore(%run_scoped3A : memref<!tpu.dma_semaphore, #tpu.memory_space<semaphore_mem>>)
        %dma_wait3A = tpu.memref_slice %arg2[%mul3A_65] : memref<320000xi32, #tpu.memory_space<hbm>> -> memref<128xi32, #tpu.memory_space<hbm>>
        %dma_wait3A_67 = tpu.memref_slice %arg2[%mul3A_65] : memref<320000xi32, #tpu.memory_space<hbm>> -> memref<128xi32, #tpu.memory_space<hbm>>
        tpu.wait_dma2 semaphore(%run_scoped3A : memref<!tpu.dma_semaphore, #tpu.memory_space<semaphore_mem>>) src(%dma_wait3A_67 : memref<128xi32, #tpu.memory_space<hbm>>) dst(%arg6 : memref<128xi32, #tpu.memory_space<vmem>>)
        tpu.yield
      }) : () -> ()
      "tpu.region"() ({
        %run_scoped3A = tpu.sem_alloc : memref<!tpu.dma_semaphore, #tpu.memory_space<semaphore_mem>>
        %dma_start3A = arith.constant 0 : i32
        %dma_start3A_66 = arith.constant 0 : i32
        %dma_start3A_67 = tpu.memref_slice %arg9[%dma_start3A, %dma_start3A_66] : memref<10000x128xf32, #tpu.memory_space<vmem_shared>> -> memref<10000x128xf32, #tpu.memory_space<vmem_shared>>
        tpu.enqueue_indirect_dma source(%arg7 : memref<128x128xf32, #tpu.memory_space<vmem>>) target(%dma_start3A_67 : memref<10000x128xf32, #tpu.memory_space<vmem_shared>>) offsets(%arg6 : memref<128xi32, #tpu.memory_space<vmem>>) semaphore(%run_scoped3A : memref<!tpu.dma_semaphore, #tpu.memory_space<semaphore_mem>>) {add = true}
        %dma_wait3A = arith.constant 0 : i32
        %dma_wait3A_68 = arith.constant 0 : i32
        %dma_wait3A_69 = tpu.memref_slice %arg9[%dma_wait3A, %dma_wait3A_68] : memref<10000x128xf32, #tpu.memory_space<vmem_shared>> -> memref<10000x128xf32, #tpu.memory_space<vmem_shared>>
        tpu.wait_indirect_dma semaphore(%run_scoped3A : memref<!tpu.dma_semaphore, #tpu.memory_space<semaphore_mem>>) src(%arg7 : memref<128x128xf32, #tpu.memory_space<vmem>>) dst(%dma_wait3A_69 : memref<10000x128xf32, #tpu.memory_space<vmem_shared>>)
        tpu.yield
      }) : () -> ()
    }
    %barrier3A_57 = arith.constant 0 : index
    tpu.barrier barrier_id(%barrier3A_57)
    %eq3A_58 = arith.constant 0 : i32
    %eq3A_59 = arith.cmpi eq, %arg1, %eq3A_58 : i32
    %convert_element_type3A_60 = arith.extui %eq3A_59 : i1 to i32
    %cond3A_61 = arith.constant 0 : i32
    %cond3A_62 = arith.cmpi ne, %convert_element_type3A_60, %cond3A_61 : i32
    scf.if %cond3A_62 {
      "tpu.region"() ({
        %run_scoped3A = tpu.sem_alloc : memref<!tpu.dma_semaphore, #tpu.memory_space<semaphore_mem>>
        %dma_start3A = arith.constant 0 : i32
        %dma_start3A_63 = arith.constant 0 : i32
        %dma_start3A_64 = tpu.memref_slice %arg5[%arg0, %dma_start3A, %dma_start3A_63] : memref<2x10000x128xf32, #tpu.memory_space<hbm>> -> memref<1x10000x128xf32, #tpu.memory_space<hbm>>
        %dma_start3A_65 = tpu.memref_squeeze %dma_start3A_64 : memref<1x10000x128xf32, #tpu.memory_space<hbm>> -> memref<10000x128xf32, #tpu.memory_space<hbm>>
        tpu.enqueue_dma source(%arg9 : memref<10000x128xf32, #tpu.memory_space<vmem_shared>>) target(%dma_start3A_65 : memref<10000x128xf32, #tpu.memory_space<hbm>>) target_semaphore(%run_scoped3A : memref<!tpu.dma_semaphore, #tpu.memory_space<semaphore_mem>>)
        %dma_wait3A = arith.constant 0 : i32
        %dma_wait3A_66 = arith.constant 0 : i32
        %dma_wait3A_67 = tpu.memref_slice %arg5[%arg0, %dma_wait3A, %dma_wait3A_66] : memref<2x10000x128xf32, #tpu.memory_space<hbm>> -> memref<1x10000x128xf32, #tpu.memory_space<hbm>>
        %dma_wait3A_68 = tpu.memref_squeeze %dma_wait3A_67 : memref<1x10000x128xf32, #tpu.memory_space<hbm>> -> memref<10000x128xf32, #tpu.memory_space<hbm>>
        tpu.wait_dma2 semaphore(%run_scoped3A : memref<!tpu.dma_semaphore, #tpu.memory_space<semaphore_mem>>) src(%arg9 : memref<10000x128xf32, #tpu.memory_space<vmem_shared>>) dst(%dma_wait3A_68 : memref<10000x128xf32, #tpu.memory_space<hbm>>)
        tpu.yield
      }) : () -> ()
    } else {
    }
    return
  }
}

#map = affine_map<(d0, d1) -> (0)>
#map1 = affine_map<(d0, d1) -> (0, 0)>
module attributes {stable_mosaic.version = 14 : i64} {
  func.func @_qr_body(%arg0: i32, %arg1: i32, %arg2: memref<10240xi32, #tpu.memory_space<hbm>>, %arg3: memref<10001x128xf32, #tpu.memory_space<hbm>>, %arg4: memref<10240x128xf32, #tpu.memory_space<hbm>>, %arg5: memref<128xi32, #tpu.memory_space<vmem>>, %arg6: memref<128x128xf32, #tpu.memory_space<vmem>>, %arg7: memref<!tpu.dma_semaphore, #tpu.memory_space<semaphore_mem>>) attributes {dimension_semantics = [#tpu.dimension_semantics<core_parallel>, #tpu.dimension_semantics<subcore_parallel>], iteration_bounds = array<i64: 2, 16>, scalar_prefetch = 0 : i64, scratch_operands = 3 : i64, tpu.core_type = #tpu.core_type<sc_vector_subcore>, window_params = [{transform_indices = #map}, {transform_indices = #map1}, {transform_indices = #map1}]} {
    %mul3A = arith.constant 2 : i32
    %mul3A_0 = arith.muli %arg1, %mul3A : i32
    %add3A = arith.addi %mul3A_0, %arg0 : i32
    %mul3A_1 = arith.constant 80 : i32
    %mul3A_2 = arith.muli %add3A, %mul3A_1 : i32
    %jit3A = arith.constant 32 : i32
    %div3A = arith.divsi %mul3A_2, %jit3A : i32
    %sign3A = arith.constant 0 : i32
    %sign3A_3 = arith.cmpi sgt, %mul3A_2, %sign3A : i32
    %sign3A_4 = arith.extui %sign3A_3 : i1 to i32
    %sign3A_5 = arith.constant 0 : i32
    %sign3A_6 = arith.cmpi slt, %mul3A_2, %sign3A_5 : i32
    %sign3A_7 = arith.extui %sign3A_6 : i1 to i32
    %sign3A_8 = arith.subi %sign3A_4, %sign3A_7 : i32
    %sign3A_9 = arith.constant 0 : i32
    %sign3A_10 = arith.cmpi sgt, %jit3A, %sign3A_9 : i32
    %sign3A_11 = arith.extui %sign3A_10 : i1 to i32
    %sign3A_12 = arith.constant 0 : i32
    %sign3A_13 = arith.cmpi slt, %jit3A, %sign3A_12 : i32
    %sign3A_14 = arith.extui %sign3A_13 : i1 to i32
    %sign3A_15 = arith.subi %sign3A_11, %sign3A_14 : i32
    %ne3A = arith.cmpi ne, %sign3A_8, %sign3A_15 : i32
    %rem3A = arith.remsi %mul3A_2, %jit3A : i32
    %ne3A_16 = arith.constant 0 : i32
    %ne3A_17 = arith.cmpi ne, %rem3A, %ne3A_16 : i32
    %and3A = arith.andi %ne3A, %ne3A_17 : i1
    %sub3A = arith.constant 1 : i32
    %sub3A_18 = arith.subi %div3A, %sub3A : i32
    %select_n3A = arith.select %and3A, %sub3A_18, %div3A : i32
    %add3A_19 = arith.constant 1 : i32
    %add3A_20 = arith.addi %add3A, %add3A_19 : i32
    %mul3A_21 = arith.constant 80 : i32
    %mul3A_22 = arith.muli %add3A_20, %mul3A_21 : i32
    %jit3A_23 = arith.constant 32 : i32
    %div3A_24 = arith.divsi %mul3A_22, %jit3A_23 : i32
    %sign3A_25 = arith.constant 0 : i32
    %sign3A_26 = arith.cmpi sgt, %mul3A_22, %sign3A_25 : i32
    %sign3A_27 = arith.extui %sign3A_26 : i1 to i32
    %sign3A_28 = arith.constant 0 : i32
    %sign3A_29 = arith.cmpi slt, %mul3A_22, %sign3A_28 : i32
    %sign3A_30 = arith.extui %sign3A_29 : i1 to i32
    %sign3A_31 = arith.subi %sign3A_27, %sign3A_30 : i32
    %sign3A_32 = arith.constant 0 : i32
    %sign3A_33 = arith.cmpi sgt, %jit3A_23, %sign3A_32 : i32
    %sign3A_34 = arith.extui %sign3A_33 : i1 to i32
    %sign3A_35 = arith.constant 0 : i32
    %sign3A_36 = arith.cmpi slt, %jit3A_23, %sign3A_35 : i32
    %sign3A_37 = arith.extui %sign3A_36 : i1 to i32
    %sign3A_38 = arith.subi %sign3A_34, %sign3A_37 : i32
    %ne3A_39 = arith.cmpi ne, %sign3A_31, %sign3A_38 : i32
    %rem3A_40 = arith.remsi %mul3A_22, %jit3A_23 : i32
    %ne3A_41 = arith.constant 0 : i32
    %ne3A_42 = arith.cmpi ne, %rem3A_40, %ne3A_41 : i32
    %and3A_43 = arith.andi %ne3A_39, %ne3A_42 : i1
    %sub3A_44 = arith.constant 1 : i32
    %sub3A_45 = arith.subi %div3A_24, %sub3A_44 : i32
    %select_n3A_46 = arith.select %and3A_43, %sub3A_45, %div3A_24 : i32
    %while3A = arith.constant 0 : i32
    %while3A_47 = arith.subi %select_n3A_46, %select_n3A : i32
    %while3A_48 = arith.addi %select_n3A, %while3A_47 : i32
    %while3A_49 = arith.constant 1 : i32
    %while3A_50 = arith.divsi %while3A_47, %while3A_49 : i32
    %while3A_51 = arith.muli %while3A_50, %while3A_49 : i32
    %while3A_52 = arith.addi %select_n3A, %while3A_51 : i32
    %while3A_53 = arith.constant 1 : i32
    scf.for %while3A_55 = %select_n3A to %while3A_52 step %while3A_53  : i32 {
      %mul3A_56 = arith.constant 128 : i32
      %mul3A_57 = arith.muli %while3A_55, %mul3A_56 : i32
      "tpu.region"() ({
        %run_scoped3A = tpu.sem_alloc : memref<!tpu.dma_semaphore, #tpu.memory_space<semaphore_mem>>
        %dma_start3A_62 = tpu.memref_slice %arg2[%mul3A_57] : memref<10240xi32, #tpu.memory_space<hbm>> -> memref<128xi32, #tpu.memory_space<hbm>>
        %dma_start3A_63 = tpu.memref_slice %arg2[%mul3A_57] : memref<10240xi32, #tpu.memory_space<hbm>> -> memref<128xi32, #tpu.memory_space<hbm>>
        tpu.enqueue_dma source(%dma_start3A_63 : memref<128xi32, #tpu.memory_space<hbm>>) target(%arg5 : memref<128xi32, #tpu.memory_space<vmem>>) target_semaphore(%run_scoped3A : memref<!tpu.dma_semaphore, #tpu.memory_space<semaphore_mem>>)
        %dma_wait3A_64 = tpu.memref_slice %arg2[%mul3A_57] : memref<10240xi32, #tpu.memory_space<hbm>> -> memref<128xi32, #tpu.memory_space<hbm>>
        %dma_wait3A_65 = tpu.memref_slice %arg2[%mul3A_57] : memref<10240xi32, #tpu.memory_space<hbm>> -> memref<128xi32, #tpu.memory_space<hbm>>
        tpu.wait_dma2 semaphore(%run_scoped3A : memref<!tpu.dma_semaphore, #tpu.memory_space<semaphore_mem>>) src(%dma_wait3A_65 : memref<128xi32, #tpu.memory_space<hbm>>) dst(%arg5 : memref<128xi32, #tpu.memory_space<vmem>>)
        tpu.yield
      }) : () -> ()
      %dma_start3A = arith.constant 0 : i32
      %dma_start3A_58 = arith.constant 0 : i32
      %dma_start3A_59 = tpu.memref_slice %arg3[%dma_start3A, %dma_start3A_58] : memref<10001x128xf32, #tpu.memory_space<hbm>> -> memref<10001x128xf32, #tpu.memory_space<hbm>>
      tpu.enqueue_indirect_dma source(%dma_start3A_59 : memref<10001x128xf32, #tpu.memory_space<hbm>>) target(%arg6 : memref<128x128xf32, #tpu.memory_space<vmem>>) offsets(%arg5 : memref<128xi32, #tpu.memory_space<vmem>>) semaphore(%arg7 : memref<!tpu.dma_semaphore, #tpu.memory_space<semaphore_mem>>)
      %dma_wait3A = arith.constant 0 : i32
      %dma_wait3A_60 = arith.constant 0 : i32
      %dma_wait3A_61 = tpu.memref_slice %arg3[%dma_wait3A, %dma_wait3A_60] : memref<10001x128xf32, #tpu.memory_space<hbm>> -> memref<10001x128xf32, #tpu.memory_space<hbm>>
      tpu.wait_indirect_dma semaphore(%arg7 : memref<!tpu.dma_semaphore, #tpu.memory_space<semaphore_mem>>) src(%dma_wait3A_61 : memref<10001x128xf32, #tpu.memory_space<hbm>>) dst(%arg6 : memref<128x128xf32, #tpu.memory_space<vmem>>)
      "tpu.region"() ({
        %run_scoped3A = tpu.sem_alloc : memref<!tpu.dma_semaphore, #tpu.memory_space<semaphore_mem>>
        %dma_start3A_62 = arith.constant 0 : i32
        %dma_start3A_63 = tpu.memref_slice %arg4[%mul3A_57, %dma_start3A_62] : memref<10240x128xf32, #tpu.memory_space<hbm>> -> memref<128x128xf32, #tpu.memory_space<hbm>>
        %dma_start3A_64 = arith.constant 0 : i32
        %dma_start3A_65 = tpu.memref_slice %arg4[%mul3A_57, %dma_start3A_64] : memref<10240x128xf32, #tpu.memory_space<hbm>> -> memref<128x128xf32, #tpu.memory_space<hbm>>
        tpu.enqueue_dma source(%arg6 : memref<128x128xf32, #tpu.memory_space<vmem>>) target(%dma_start3A_65 : memref<128x128xf32, #tpu.memory_space<hbm>>) target_semaphore(%run_scoped3A : memref<!tpu.dma_semaphore, #tpu.memory_space<semaphore_mem>>)
        %dma_wait3A_66 = arith.constant 0 : i32
        %dma_wait3A_67 = tpu.memref_slice %arg4[%mul3A_57, %dma_wait3A_66] : memref<10240x128xf32, #tpu.memory_space<hbm>> -> memref<128x128xf32, #tpu.memory_space<hbm>>
        %dma_wait3A_68 = arith.constant 0 : i32
        %dma_wait3A_69 = tpu.memref_slice %arg4[%mul3A_57, %dma_wait3A_68] : memref<10240x128xf32, #tpu.memory_space<hbm>> -> memref<128x128xf32, #tpu.memory_space<hbm>>
        tpu.wait_dma2 semaphore(%run_scoped3A : memref<!tpu.dma_semaphore, #tpu.memory_space<semaphore_mem>>) src(%arg6 : memref<128x128xf32, #tpu.memory_space<vmem>>) dst(%dma_wait3A_69 : memref<128x128xf32, #tpu.memory_space<hbm>>)
        tpu.yield
      }) : () -> ()
    }
    %while3A_54 = arith.constant 1 : i32
    scf.for %while3A_55 = %while3A_52 to %while3A_48 step %while3A_54  : i32 {
      %mul3A_56 = arith.constant 128 : i32
      %mul3A_57 = arith.muli %while3A_55, %mul3A_56 : i32
      "tpu.region"() ({
        %run_scoped3A = tpu.sem_alloc : memref<!tpu.dma_semaphore, #tpu.memory_space<semaphore_mem>>
        %dma_start3A_62 = tpu.memref_slice %arg2[%mul3A_57] : memref<10240xi32, #tpu.memory_space<hbm>> -> memref<128xi32, #tpu.memory_space<hbm>>
        %dma_start3A_63 = tpu.memref_slice %arg2[%mul3A_57] : memref<10240xi32, #tpu.memory_space<hbm>> -> memref<128xi32, #tpu.memory_space<hbm>>
        tpu.enqueue_dma source(%dma_start3A_63 : memref<128xi32, #tpu.memory_space<hbm>>) target(%arg5 : memref<128xi32, #tpu.memory_space<vmem>>) target_semaphore(%run_scoped3A : memref<!tpu.dma_semaphore, #tpu.memory_space<semaphore_mem>>)
        %dma_wait3A_64 = tpu.memref_slice %arg2[%mul3A_57] : memref<10240xi32, #tpu.memory_space<hbm>> -> memref<128xi32, #tpu.memory_space<hbm>>
        %dma_wait3A_65 = tpu.memref_slice %arg2[%mul3A_57] : memref<10240xi32, #tpu.memory_space<hbm>> -> memref<128xi32, #tpu.memory_space<hbm>>
        tpu.wait_dma2 semaphore(%run_scoped3A : memref<!tpu.dma_semaphore, #tpu.memory_space<semaphore_mem>>) src(%dma_wait3A_65 : memref<128xi32, #tpu.memory_space<hbm>>) dst(%arg5 : memref<128xi32, #tpu.memory_space<vmem>>)
        tpu.yield
      }) : () -> ()
      %dma_start3A = arith.constant 0 : i32
      %dma_start3A_58 = arith.constant 0 : i32
      %dma_start3A_59 = tpu.memref_slice %arg3[%dma_start3A, %dma_start3A_58] : memref<10001x128xf32, #tpu.memory_space<hbm>> -> memref<10001x128xf32, #tpu.memory_space<hbm>>
      tpu.enqueue_indirect_dma source(%dma_start3A_59 : memref<10001x128xf32, #tpu.memory_space<hbm>>) target(%arg6 : memref<128x128xf32, #tpu.memory_space<vmem>>) offsets(%arg5 : memref<128xi32, #tpu.memory_space<vmem>>) semaphore(%arg7 : memref<!tpu.dma_semaphore, #tpu.memory_space<semaphore_mem>>)
      %dma_wait3A = arith.constant 0 : i32
      %dma_wait3A_60 = arith.constant 0 : i32
      %dma_wait3A_61 = tpu.memref_slice %arg3[%dma_wait3A, %dma_wait3A_60] : memref<10001x128xf32, #tpu.memory_space<hbm>> -> memref<10001x128xf32, #tpu.memory_space<hbm>>
      tpu.wait_indirect_dma semaphore(%arg7 : memref<!tpu.dma_semaphore, #tpu.memory_space<semaphore_mem>>) src(%dma_wait3A_61 : memref<10001x128xf32, #tpu.memory_space<hbm>>) dst(%arg6 : memref<128x128xf32, #tpu.memory_space<vmem>>)
      "tpu.region"() ({
        %run_scoped3A = tpu.sem_alloc : memref<!tpu.dma_semaphore, #tpu.memory_space<semaphore_mem>>
        %dma_start3A_62 = arith.constant 0 : i32
        %dma_start3A_63 = tpu.memref_slice %arg4[%mul3A_57, %dma_start3A_62] : memref<10240x128xf32, #tpu.memory_space<hbm>> -> memref<128x128xf32, #tpu.memory_space<hbm>>
        %dma_start3A_64 = arith.constant 0 : i32
        %dma_start3A_65 = tpu.memref_slice %arg4[%mul3A_57, %dma_start3A_64] : memref<10240x128xf32, #tpu.memory_space<hbm>> -> memref<128x128xf32, #tpu.memory_space<hbm>>
        tpu.enqueue_dma source(%arg6 : memref<128x128xf32, #tpu.memory_space<vmem>>) target(%dma_start3A_65 : memref<128x128xf32, #tpu.memory_space<hbm>>) target_semaphore(%run_scoped3A : memref<!tpu.dma_semaphore, #tpu.memory_space<semaphore_mem>>)
        %dma_wait3A_66 = arith.constant 0 : i32
        %dma_wait3A_67 = tpu.memref_slice %arg4[%mul3A_57, %dma_wait3A_66] : memref<10240x128xf32, #tpu.memory_space<hbm>> -> memref<128x128xf32, #tpu.memory_space<hbm>>
        %dma_wait3A_68 = arith.constant 0 : i32
        %dma_wait3A_69 = tpu.memref_slice %arg4[%mul3A_57, %dma_wait3A_68] : memref<10240x128xf32, #tpu.memory_space<hbm>> -> memref<128x128xf32, #tpu.memory_space<hbm>>
        tpu.wait_dma2 semaphore(%run_scoped3A : memref<!tpu.dma_semaphore, #tpu.memory_space<semaphore_mem>>) src(%arg6 : memref<128x128xf32, #tpu.memory_space<vmem>>) dst(%dma_wait3A_69 : memref<128x128xf32, #tpu.memory_space<hbm>>)
        tpu.yield
      }) : () -> ()
    }
    return
  }
}

#map = affine_map<(d0, d1) -> (0)>
#map1 = affine_map<(d0, d1) -> (0, 0)>
module attributes {stable_mosaic.version = 14 : i64} {
  func.func @_gather_body(%arg0: i32, %arg1: i32, %arg2: memref<320000xi32, #tpu.memory_space<hbm>>, %arg3: memref<320000xi32, #tpu.memory_space<hbm>>, %arg4: memref<320000xi32, #tpu.memory_space<hbm>>, %arg5: memref<10000x128xf32, #tpu.memory_space<hbm>>, %arg6: memref<10001x128xf32, #tpu.memory_space<hbm>>, %arg7: memref<10240x128xf32, #tpu.memory_space<hbm>>, %arg8: memref<320000x128xf32, #tpu.memory_space<hbm>>, %arg9: memref<320000x128xf32, #tpu.memory_space<hbm>>, %arg10: memref<320000x128xf32, #tpu.memory_space<hbm>>, %arg11: memref<128xi32, #tpu.memory_space<vmem>>, %arg12: memref<128xi32, #tpu.memory_space<vmem>>, %arg13: memref<128xi32, #tpu.memory_space<vmem>>, %arg14: memref<128x128xf32, #tpu.memory_space<vmem>>, %arg15: memref<128x128xf32, #tpu.memory_space<vmem>>, %arg16: memref<128x128xf32, #tpu.memory_space<vmem>>, %arg17: memref<!tpu.dma_semaphore, #tpu.memory_space<semaphore_mem>>, %arg18: memref<!tpu.dma_semaphore, #tpu.memory_space<semaphore_mem>>) attributes {dimension_semantics = [#tpu.dimension_semantics<core_parallel>, #tpu.dimension_semantics<subcore_parallel>], iteration_bounds = array<i64: 2, 16>, scalar_prefetch = 0 : i64, scratch_operands = 8 : i64, tpu.core_type = #tpu.core_type<sc_vector_subcore>, window_params = [{transform_indices = #map}, {transform_indices = #map}, {transform_indices = #map}, {transform_indices = #map1}, {transform_indices = #map1}, {transform_indices = #map1}, {transform_indices = #map1}, {transform_indices = #map1}, {transform_indices = #map1}]} {
    %mul3A = arith.constant 2 : i32
    %mul3A_0 = arith.muli %arg1, %mul3A : i32
    %add3A = arith.addi %mul3A_0, %arg0 : i32
    %mul3A_1 = arith.constant 2500 : i32
    %mul3A_2 = arith.muli %add3A, %mul3A_1 : i32
    %jit3A = arith.constant 32 : i32
    %div3A = arith.divsi %mul3A_2, %jit3A : i32
    %sign3A = arith.constant 0 : i32
    %sign3A_3 = arith.cmpi sgt, %mul3A_2, %sign3A : i32
    %sign3A_4 = arith.extui %sign3A_3 : i1 to i32
    %sign3A_5 = arith.constant 0 : i32
    %sign3A_6 = arith.cmpi slt, %mul3A_2, %sign3A_5 : i32
    %sign3A_7 = arith.extui %sign3A_6 : i1 to i32
    %sign3A_8 = arith.subi %sign3A_4, %sign3A_7 : i32
    %sign3A_9 = arith.constant 0 : i32
    %sign3A_10 = arith.cmpi sgt, %jit3A, %sign3A_9 : i32
    %sign3A_11 = arith.extui %sign3A_10 : i1 to i32
    %sign3A_12 = arith.constant 0 : i32
    %sign3A_13 = arith.cmpi slt, %jit3A, %sign3A_12 : i32
    %sign3A_14 = arith.extui %sign3A_13 : i1 to i32
    %sign3A_15 = arith.subi %sign3A_11, %sign3A_14 : i32
    %ne3A = arith.cmpi ne, %sign3A_8, %sign3A_15 : i32
    %rem3A = arith.remsi %mul3A_2, %jit3A : i32
    %ne3A_16 = arith.constant 0 : i32
    %ne3A_17 = arith.cmpi ne, %rem3A, %ne3A_16 : i32
    %and3A = arith.andi %ne3A, %ne3A_17 : i1
    %sub3A = arith.constant 1 : i32
    %sub3A_18 = arith.subi %div3A, %sub3A : i32
    %select_n3A = arith.select %and3A, %sub3A_18, %div3A : i32
    %add3A_19 = arith.constant 1 : i32
    %add3A_20 = arith.addi %add3A, %add3A_19 : i32
    %mul3A_21 = arith.constant 2500 : i32
    %mul3A_22 = arith.muli %add3A_20, %mul3A_21 : i32
    %jit3A_23 = arith.constant 32 : i32
    %div3A_24 = arith.divsi %mul3A_22, %jit3A_23 : i32
    %sign3A_25 = arith.constant 0 : i32
    %sign3A_26 = arith.cmpi sgt, %mul3A_22, %sign3A_25 : i32
    %sign3A_27 = arith.extui %sign3A_26 : i1 to i32
    %sign3A_28 = arith.constant 0 : i32
    %sign3A_29 = arith.cmpi slt, %mul3A_22, %sign3A_28 : i32
    %sign3A_30 = arith.extui %sign3A_29 : i1 to i32
    %sign3A_31 = arith.subi %sign3A_27, %sign3A_30 : i32
    %sign3A_32 = arith.constant 0 : i32
    %sign3A_33 = arith.cmpi sgt, %jit3A_23, %sign3A_32 : i32
    %sign3A_34 = arith.extui %sign3A_33 : i1 to i32
    %sign3A_35 = arith.constant 0 : i32
    %sign3A_36 = arith.cmpi slt, %jit3A_23, %sign3A_35 : i32
    %sign3A_37 = arith.extui %sign3A_36 : i1 to i32
    %sign3A_38 = arith.subi %sign3A_34, %sign3A_37 : i32
    %ne3A_39 = arith.cmpi ne, %sign3A_31, %sign3A_38 : i32
    %rem3A_40 = arith.remsi %mul3A_22, %jit3A_23 : i32
    %ne3A_41 = arith.constant 0 : i32
    %ne3A_42 = arith.cmpi ne, %rem3A_40, %ne3A_41 : i32
    %and3A_43 = arith.andi %ne3A_39, %ne3A_42 : i1
    %sub3A_44 = arith.constant 1 : i32
    %sub3A_45 = arith.subi %div3A_24, %sub3A_44 : i32
    %select_n3A_46 = arith.select %and3A_43, %sub3A_45, %div3A_24 : i32
    %while3A = arith.constant 0 : i32
    %while3A_47 = arith.subi %select_n3A_46, %select_n3A : i32
    %while3A_48 = arith.addi %select_n3A, %while3A_47 : i32
    %while3A_49 = arith.constant 1 : i32
    %while3A_50 = arith.divsi %while3A_47, %while3A_49 : i32
    %while3A_51 = arith.muli %while3A_50, %while3A_49 : i32
    %while3A_52 = arith.addi %select_n3A, %while3A_51 : i32
    %while3A_53 = arith.constant 1 : i32
    scf.for %while3A_55 = %select_n3A to %while3A_52 step %while3A_53  : i32 {
      %mul3A_56 = arith.constant 128 : i32
      %mul3A_57 = arith.muli %while3A_55, %mul3A_56 : i32
      %dma_start3A = tpu.memref_slice %arg2[%mul3A_57] : memref<320000xi32, #tpu.memory_space<hbm>> -> memref<128xi32, #tpu.memory_space<hbm>>
      %dma_start3A_58 = tpu.memref_slice %arg2[%mul3A_57] : memref<320000xi32, #tpu.memory_space<hbm>> -> memref<128xi32, #tpu.memory_space<hbm>>
      tpu.enqueue_dma source(%dma_start3A_58 : memref<128xi32, #tpu.memory_space<hbm>>) target(%arg11 : memref<128xi32, #tpu.memory_space<vmem>>) target_semaphore(%arg18 : memref<!tpu.dma_semaphore, #tpu.memory_space<semaphore_mem>>)
      %dma_start3A_59 = tpu.memref_slice %arg3[%mul3A_57] : memref<320000xi32, #tpu.memory_space<hbm>> -> memref<128xi32, #tpu.memory_space<hbm>>
      %dma_start3A_60 = tpu.memref_slice %arg3[%mul3A_57] : memref<320000xi32, #tpu.memory_space<hbm>> -> memref<128xi32, #tpu.memory_space<hbm>>
      tpu.enqueue_dma source(%dma_start3A_60 : memref<128xi32, #tpu.memory_space<hbm>>) target(%arg12 : memref<128xi32, #tpu.memory_space<vmem>>) target_semaphore(%arg18 : memref<!tpu.dma_semaphore, #tpu.memory_space<semaphore_mem>>)
      %dma_start3A_61 = tpu.memref_slice %arg4[%mul3A_57] : memref<320000xi32, #tpu.memory_space<hbm>> -> memref<128xi32, #tpu.memory_space<hbm>>
      %dma_start3A_62 = tpu.memref_slice %arg4[%mul3A_57] : memref<320000xi32, #tpu.memory_space<hbm>> -> memref<128xi32, #tpu.memory_space<hbm>>
      tpu.enqueue_dma source(%dma_start3A_62 : memref<128xi32, #tpu.memory_space<hbm>>) target(%arg13 : memref<128xi32, #tpu.memory_space<vmem>>) target_semaphore(%arg18 : memref<!tpu.dma_semaphore, #tpu.memory_space<semaphore_mem>>)
      %dma_wait3A = tpu.memref_slice %arg2[%mul3A_57] : memref<320000xi32, #tpu.memory_space<hbm>> -> memref<128xi32, #tpu.memory_space<hbm>>
      %dma_wait3A_63 = tpu.memref_slice %arg2[%mul3A_57] : memref<320000xi32, #tpu.memory_space<hbm>> -> memref<128xi32, #tpu.memory_space<hbm>>
      tpu.wait_dma2 semaphore(%arg18 : memref<!tpu.dma_semaphore, #tpu.memory_space<semaphore_mem>>) src(%dma_wait3A_63 : memref<128xi32, #tpu.memory_space<hbm>>) dst(%arg11 : memref<128xi32, #tpu.memory_space<vmem>>)
      %dma_wait3A_64 = tpu.memref_slice %arg3[%mul3A_57] : memref<320000xi32, #tpu.memory_space<hbm>> -> memref<128xi32, #tpu.memory_space<hbm>>
      %dma_wait3A_65 = tpu.memref_slice %arg3[%mul3A_57] : memref<320000xi32, #tpu.memory_space<hbm>> -> memref<128xi32, #tpu.memory_space<hbm>>
      tpu.wait_dma2 semaphore(%arg18 : memref<!tpu.dma_semaphore, #tpu.memory_space<semaphore_mem>>) src(%dma_wait3A_65 : memref<128xi32, #tpu.memory_space<hbm>>) dst(%arg12 : memref<128xi32, #tpu.memory_space<vmem>>)
      %dma_wait3A_66 = tpu.memref_slice %arg4[%mul3A_57] : memref<320000xi32, #tpu.memory_space<hbm>> -> memref<128xi32, #tpu.memory_space<hbm>>
      %dma_wait3A_67 = tpu.memref_slice %arg4[%mul3A_57] : memref<320000xi32, #tpu.memory_space<hbm>> -> memref<128xi32, #tpu.memory_space<hbm>>
      tpu.wait_dma2 semaphore(%arg18 : memref<!tpu.dma_semaphore, #tpu.memory_space<semaphore_mem>>) src(%dma_wait3A_67 : memref<128xi32, #tpu.memory_space<hbm>>) dst(%arg13 : memref<128xi32, #tpu.memory_space<vmem>>)
      %dma_start3A_68 = arith.constant 0 : i32
      %dma_start3A_69 = arith.constant 0 : i32
      %dma_start3A_70 = tpu.memref_slice %arg5[%dma_start3A_68, %dma_start3A_69] : memref<10000x128xf32, #tpu.memory_space<hbm>> -> memref<10000x128xf32, #tpu.memory_space<hbm>>
      tpu.enqueue_indirect_dma source(%dma_start3A_70 : memref<10000x128xf32, #tpu.memory_space<hbm>>) target(%arg14 : memref<128x128xf32, #tpu.memory_space<vmem>>) offsets(%arg11 : memref<128xi32, #tpu.memory_space<vmem>>) semaphore(%arg17 : memref<!tpu.dma_semaphore, #tpu.memory_space<semaphore_mem>>)
      %dma_start3A_71 = arith.constant 0 : i32
      %dma_start3A_72 = arith.constant 0 : i32
      %dma_start3A_73 = tpu.memref_slice %arg6[%dma_start3A_71, %dma_start3A_72] : memref<10001x128xf32, #tpu.memory_space<hbm>> -> memref<10001x128xf32, #tpu.memory_space<hbm>>
      tpu.enqueue_indirect_dma source(%dma_start3A_73 : memref<10001x128xf32, #tpu.memory_space<hbm>>) target(%arg15 : memref<128x128xf32, #tpu.memory_space<vmem>>) offsets(%arg12 : memref<128xi32, #tpu.memory_space<vmem>>) semaphore(%arg17 : memref<!tpu.dma_semaphore, #tpu.memory_space<semaphore_mem>>)
      %dma_start3A_74 = arith.constant 0 : i32
      %dma_start3A_75 = arith.constant 0 : i32
      %dma_start3A_76 = tpu.memref_slice %arg7[%dma_start3A_74, %dma_start3A_75] : memref<10240x128xf32, #tpu.memory_space<hbm>> -> memref<10240x128xf32, #tpu.memory_space<hbm>>
      tpu.enqueue_indirect_dma source(%dma_start3A_76 : memref<10240x128xf32, #tpu.memory_space<hbm>>) target(%arg16 : memref<128x128xf32, #tpu.memory_space<vmem>>) offsets(%arg13 : memref<128xi32, #tpu.memory_space<vmem>>) semaphore(%arg17 : memref<!tpu.dma_semaphore, #tpu.memory_space<semaphore_mem>>)
      %dma_wait3A_77 = arith.constant 0 : i32
      %dma_wait3A_78 = arith.constant 0 : i32
      %dma_wait3A_79 = tpu.memref_slice %arg5[%dma_wait3A_77, %dma_wait3A_78] : memref<10000x128xf32, #tpu.memory_space<hbm>> -> memref<10000x128xf32, #tpu.memory_space<hbm>>
      tpu.wait_indirect_dma semaphore(%arg17 : memref<!tpu.dma_semaphore, #tpu.memory_space<semaphore_mem>>) src(%dma_wait3A_79 : memref<10000x128xf32, #tpu.memory_space<hbm>>) dst(%arg14 : memref<128x128xf32, #tpu.memory_space<vmem>>)
      "tpu.region"() ({
        %run_scoped3A = tpu.sem_alloc : memref<!tpu.dma_semaphore, #tpu.memory_space<semaphore_mem>>
        %dma_start3A_86 = arith.constant 0 : i32
        %dma_start3A_87 = tpu.memref_slice %arg8[%mul3A_57, %dma_start3A_86] : memref<320000x128xf32, #tpu.memory_space<hbm>> -> memref<128x128xf32, #tpu.memory_space<hbm>>
        %dma_start3A_88 = arith.constant 0 : i32
        %dma_start3A_89 = tpu.memref_slice %arg8[%mul3A_57, %dma_start3A_88] : memref<320000x128xf32, #tpu.memory_space<hbm>> -> memref<128x128xf32, #tpu.memory_space<hbm>>
        tpu.enqueue_dma source(%arg14 : memref<128x128xf32, #tpu.memory_space<vmem>>) target(%dma_start3A_89 : memref<128x128xf32, #tpu.memory_space<hbm>>) target_semaphore(%run_scoped3A : memref<!tpu.dma_semaphore, #tpu.memory_space<semaphore_mem>>)
        %dma_wait3A_90 = arith.constant 0 : i32
        %dma_wait3A_91 = tpu.memref_slice %arg8[%mul3A_57, %dma_wait3A_90] : memref<320000x128xf32, #tpu.memory_space<hbm>> -> memref<128x128xf32, #tpu.memory_space<hbm>>
        %dma_wait3A_92 = arith.constant 0 : i32
        %dma_wait3A_93 = tpu.memref_slice %arg8[%mul3A_57, %dma_wait3A_92] : memref<320000x128xf32, #tpu.memory_space<hbm>> -> memref<128x128xf32, #tpu.memory_space<hbm>>
        tpu.wait_dma2 semaphore(%run_scoped3A : memref<!tpu.dma_semaphore, #tpu.memory_space<semaphore_mem>>) src(%arg14 : memref<128x128xf32, #tpu.memory_space<vmem>>) dst(%dma_wait3A_93 : memref<128x128xf32, #tpu.memory_space<hbm>>)
        tpu.yield
      }) : () -> ()
      %dma_wait3A_80 = arith.constant 0 : i32
      %dma_wait3A_81 = arith.constant 0 : i32
      %dma_wait3A_82 = tpu.memref_slice %arg6[%dma_wait3A_80, %dma_wait3A_81] : memref<10001x128xf32, #tpu.memory_space<hbm>> -> memref<10001x128xf32, #tpu.memory_space<hbm>>
      tpu.wait_indirect_dma semaphore(%arg17 : memref<!tpu.dma_semaphore, #tpu.memory_space<semaphore_mem>>) src(%dma_wait3A_82 : memref<10001x128xf32, #tpu.memory_space<hbm>>) dst(%arg15 : memref<128x128xf32, #tpu.memory_space<vmem>>)
      "tpu.region"() ({
        %run_scoped3A = tpu.sem_alloc : memref<!tpu.dma_semaphore, #tpu.memory_space<semaphore_mem>>
        %dma_start3A_86 = arith.constant 0 : i32
        %dma_start3A_87 = tpu.memref_slice %arg9[%mul3A_57, %dma_start3A_86] : memref<320000x128xf32, #tpu.memory_space<hbm>> -> memref<128x128xf32, #tpu.memory_space<hbm>>
        %dma_start3A_88 = arith.constant 0 : i32
        %dma_start3A_89 = tpu.memref_slice %arg9[%mul3A_57, %dma_start3A_88] : memref<320000x128xf32, #tpu.memory_space<hbm>> -> memref<128x128xf32, #tpu.memory_space<hbm>>
        tpu.enqueue_dma source(%arg15 : memref<128x128xf32, #tpu.memory_space<vmem>>) target(%dma_start3A_89 : memref<128x128xf32, #tpu.memory_space<hbm>>) target_semaphore(%run_scoped3A : memref<!tpu.dma_semaphore, #tpu.memory_space<semaphore_mem>>)
        %dma_wait3A_90 = arith.constant 0 : i32
        %dma_wait3A_91 = tpu.memref_slice %arg9[%mul3A_57, %dma_wait3A_90] : memref<320000x128xf32, #tpu.memory_space<hbm>> -> memref<128x128xf32, #tpu.memory_space<hbm>>
        %dma_wait3A_92 = arith.constant 0 : i32
        %dma_wait3A_93 = tpu.memref_slice %arg9[%mul3A_57, %dma_wait3A_92] : memref<320000x128xf32, #tpu.memory_space<hbm>> -> memref<128x128xf32, #tpu.memory_space<hbm>>
        tpu.wait_dma2 semaphore(%run_scoped3A : memref<!tpu.dma_semaphore, #tpu.memory_space<semaphore_mem>>) src(%arg15 : memref<128x128xf32, #tpu.memory_space<vmem>>) dst(%dma_wait3A_93 : memref<128x128xf32, #tpu.memory_space<hbm>>)
        tpu.yield
      }) : () -> ()
      %dma_wait3A_83 = arith.constant 0 : i32
      %dma_wait3A_84 = arith.constant 0 : i32
      %dma_wait3A_85 = tpu.memref_slice %arg7[%dma_wait3A_83, %dma_wait3A_84] : memref<10240x128xf32, #tpu.memory_space<hbm>> -> memref<10240x128xf32, #tpu.memory_space<hbm>>
      tpu.wait_indirect_dma semaphore(%arg17 : memref<!tpu.dma_semaphore, #tpu.memory_space<semaphore_mem>>) src(%dma_wait3A_85 : memref<10240x128xf32, #tpu.memory_space<hbm>>) dst(%arg16 : memref<128x128xf32, #tpu.memory_space<vmem>>)
      "tpu.region"() ({
        %run_scoped3A = tpu.sem_alloc : memref<!tpu.dma_semaphore, #tpu.memory_space<semaphore_mem>>
        %dma_start3A_86 = arith.constant 0 : i32
        %dma_start3A_87 = tpu.memref_slice %arg10[%mul3A_57, %dma_start3A_86] : memref<320000x128xf32, #tpu.memory_space<hbm>> -> memref<128x128xf32, #tpu.memory_space<hbm>>
        %dma_start3A_88 = arith.constant 0 : i32
        %dma_start3A_89 = tpu.memref_slice %arg10[%mul3A_57, %dma_start3A_88] : memref<320000x128xf32, #tpu.memory_space<hbm>> -> memref<128x128xf32, #tpu.memory_space<hbm>>
        tpu.enqueue_dma source(%arg16 : memref<128x128xf32, #tpu.memory_space<vmem>>) target(%dma_start3A_89 : memref<128x128xf32, #tpu.memory_space<hbm>>) target_semaphore(%run_scoped3A : memref<!tpu.dma_semaphore, #tpu.memory_space<semaphore_mem>>)
        %dma_wait3A_90 = arith.constant 0 : i32
        %dma_wait3A_91 = tpu.memref_slice %arg10[%mul3A_57, %dma_wait3A_90] : memref<320000x128xf32, #tpu.memory_space<hbm>> -> memref<128x128xf32, #tpu.memory_space<hbm>>
        %dma_wait3A_92 = arith.constant 0 : i32
        %dma_wait3A_93 = tpu.memref_slice %arg10[%mul3A_57, %dma_wait3A_92] : memref<320000x128xf32, #tpu.memory_space<hbm>> -> memref<128x128xf32, #tpu.memory_space<hbm>>
        tpu.wait_dma2 semaphore(%run_scoped3A : memref<!tpu.dma_semaphore, #tpu.memory_space<semaphore_mem>>) src(%arg16 : memref<128x128xf32, #tpu.memory_space<vmem>>) dst(%dma_wait3A_93 : memref<128x128xf32, #tpu.memory_space<hbm>>)
        tpu.yield
      }) : () -> ()
    }
    %while3A_54 = arith.constant 1 : i32
    scf.for %while3A_55 = %while3A_52 to %while3A_48 step %while3A_54  : i32 {
      %mul3A_56 = arith.constant 128 : i32
      %mul3A_57 = arith.muli %while3A_55, %mul3A_56 : i32
      %dma_start3A = tpu.memref_slice %arg2[%mul3A_57] : memref<320000xi32, #tpu.memory_space<hbm>> -> memref<128xi32, #tpu.memory_space<hbm>>
      %dma_start3A_58 = tpu.memref_slice %arg2[%mul3A_57] : memref<320000xi32, #tpu.memory_space<hbm>> -> memref<128xi32, #tpu.memory_space<hbm>>
      tpu.enqueue_dma source(%dma_start3A_58 : memref<128xi32, #tpu.memory_space<hbm>>) target(%arg11 : memref<128xi32, #tpu.memory_space<vmem>>) target_semaphore(%arg18 : memref<!tpu.dma_semaphore, #tpu.memory_space<semaphore_mem>>)
      %dma_start3A_59 = tpu.memref_slice %arg3[%mul3A_57] : memref<320000xi32, #tpu.memory_space<hbm>> -> memref<128xi32, #tpu.memory_space<hbm>>
      %dma_start3A_60 = tpu.memref_slice %arg3[%mul3A_57] : memref<320000xi32, #tpu.memory_space<hbm>> -> memref<128xi32, #tpu.memory_space<hbm>>
      tpu.enqueue_dma source(%dma_start3A_60 : memref<128xi32, #tpu.memory_space<hbm>>) target(%arg12 : memref<128xi32, #tpu.memory_space<vmem>>) target_semaphore(%arg18 : memref<!tpu.dma_semaphore, #tpu.memory_space<semaphore_mem>>)
      %dma_start3A_61 = tpu.memref_slice %arg4[%mul3A_57] : memref<320000xi32, #tpu.memory_space<hbm>> -> memref<128xi32, #tpu.memory_space<hbm>>
      %dma_start3A_62 = tpu.memref_slice %arg4[%mul3A_57] : memref<320000xi32, #tpu.memory_space<hbm>> -> memref<128xi32, #tpu.memory_space<hbm>>
      tpu.enqueue_dma source(%dma_start3A_62 : memref<128xi32, #tpu.memory_space<hbm>>) target(%arg13 : memref<128xi32, #tpu.memory_space<vmem>>) target_semaphore(%arg18 : memref<!tpu.dma_semaphore, #tpu.memory_space<semaphore_mem>>)
      %dma_wait3A = tpu.memref_slice %arg2[%mul3A_57] : memref<320000xi32, #tpu.memory_space<hbm>> -> memref<128xi32, #tpu.memory_space<hbm>>
      %dma_wait3A_63 = tpu.memref_slice %arg2[%mul3A_57] : memref<320000xi32, #tpu.memory_space<hbm>> -> memref<128xi32, #tpu.memory_space<hbm>>
      tpu.wait_dma2 semaphore(%arg18 : memref<!tpu.dma_semaphore, #tpu.memory_space<semaphore_mem>>) src(%dma_wait3A_63 : memref<128xi32, #tpu.memory_space<hbm>>) dst(%arg11 : memref<128xi32, #tpu.memory_space<vmem>>)
      %dma_wait3A_64 = tpu.memref_slice %arg3[%mul3A_57] : memref<320000xi32, #tpu.memory_space<hbm>> -> memref<128xi32, #tpu.memory_space<hbm>>
      %dma_wait3A_65 = tpu.memref_slice %arg3[%mul3A_57] : memref<320000xi32, #tpu.memory_space<hbm>> -> memref<128xi32, #tpu.memory_space<hbm>>
      tpu.wait_dma2 semaphore(%arg18 : memref<!tpu.dma_semaphore, #tpu.memory_space<semaphore_mem>>) src(%dma_wait3A_65 : memref<128xi32, #tpu.memory_space<hbm>>) dst(%arg12 : memref<128xi32, #tpu.memory_space<vmem>>)
      %dma_wait3A_66 = tpu.memref_slice %arg4[%mul3A_57] : memref<320000xi32, #tpu.memory_space<hbm>> -> memref<128xi32, #tpu.memory_space<hbm>>
      %dma_wait3A_67 = tpu.memref_slice %arg4[%mul3A_57] : memref<320000xi32, #tpu.memory_space<hbm>> -> memref<128xi32, #tpu.memory_space<hbm>>
      tpu.wait_dma2 semaphore(%arg18 : memref<!tpu.dma_semaphore, #tpu.memory_space<semaphore_mem>>) src(%dma_wait3A_67 : memref<128xi32, #tpu.memory_space<hbm>>) dst(%arg13 : memref<128xi32, #tpu.memory_space<vmem>>)
      %dma_start3A_68 = arith.constant 0 : i32
      %dma_start3A_69 = arith.constant 0 : i32
      %dma_start3A_70 = tpu.memref_slice %arg5[%dma_start3A_68, %dma_start3A_69] : memref<10000x128xf32, #tpu.memory_space<hbm>> -> memref<10000x128xf32, #tpu.memory_space<hbm>>
      tpu.enqueue_indirect_dma source(%dma_start3A_70 : memref<10000x128xf32, #tpu.memory_space<hbm>>) target(%arg14 : memref<128x128xf32, #tpu.memory_space<vmem>>) offsets(%arg11 : memref<128xi32, #tpu.memory_space<vmem>>) semaphore(%arg17 : memref<!tpu.dma_semaphore, #tpu.memory_space<semaphore_mem>>)
      %dma_start3A_71 = arith.constant 0 : i32
      %dma_start3A_72 = arith.constant 0 : i32
      %dma_start3A_73 = tpu.memref_slice %arg6[%dma_start3A_71, %dma_start3A_72] : memref<10001x128xf32, #tpu.memory_space<hbm>> -> memref<10001x128xf32, #tpu.memory_space<hbm>>
      tpu.enqueue_indirect_dma source(%dma_start3A_73 : memref<10001x128xf32, #tpu.memory_space<hbm>>) target(%arg15 : memref<128x128xf32, #tpu.memory_space<vmem>>) offsets(%arg12 : memref<128xi32, #tpu.memory_space<vmem>>) semaphore(%arg17 : memref<!tpu.dma_semaphore, #tpu.memory_space<semaphore_mem>>)
      %dma_start3A_74 = arith.constant 0 : i32
      %dma_start3A_75 = arith.constant 0 : i32
      %dma_start3A_76 = tpu.memref_slice %arg7[%dma_start3A_74, %dma_start3A_75] : memref<10240x128xf32, #tpu.memory_space<hbm>> -> memref<10240x128xf32, #tpu.memory_space<hbm>>
      tpu.enqueue_indirect_dma source(%dma_start3A_76 : memref<10240x128xf32, #tpu.memory_space<hbm>>) target(%arg16 : memref<128x128xf32, #tpu.memory_space<vmem>>) offsets(%arg13 : memref<128xi32, #tpu.memory_space<vmem>>) semaphore(%arg17 : memref<!tpu.dma_semaphore, #tpu.memory_space<semaphore_mem>>)
      %dma_wait3A_77 = arith.constant 0 : i32
      %dma_wait3A_78 = arith.constant 0 : i32
      %dma_wait3A_79 = tpu.memref_slice %arg5[%dma_wait3A_77, %dma_wait3A_78] : memref<10000x128xf32, #tpu.memory_space<hbm>> -> memref<10000x128xf32, #tpu.memory_space<hbm>>
      tpu.wait_indirect_dma semaphore(%arg17 : memref<!tpu.dma_semaphore, #tpu.memory_space<semaphore_mem>>) src(%dma_wait3A_79 : memref<10000x128xf32, #tpu.memory_space<hbm>>) dst(%arg14 : memref<128x128xf32, #tpu.memory_space<vmem>>)
      "tpu.region"() ({
        %run_scoped3A = tpu.sem_alloc : memref<!tpu.dma_semaphore, #tpu.memory_space<semaphore_mem>>
        %dma_start3A_86 = arith.constant 0 : i32
        %dma_start3A_87 = tpu.memref_slice %arg8[%mul3A_57, %dma_start3A_86] : memref<320000x128xf32, #tpu.memory_space<hbm>> -> memref<128x128xf32, #tpu.memory_space<hbm>>
        %dma_start3A_88 = arith.constant 0 : i32
        %dma_start3A_89 = tpu.memref_slice %arg8[%mul3A_57, %dma_start3A_88] : memref<320000x128xf32, #tpu.memory_space<hbm>> -> memref<128x128xf32, #tpu.memory_space<hbm>>
        tpu.enqueue_dma source(%arg14 : memref<128x128xf32, #tpu.memory_space<vmem>>) target(%dma_start3A_89 : memref<128x128xf32, #tpu.memory_space<hbm>>) target_semaphore(%run_scoped3A : memref<!tpu.dma_semaphore, #tpu.memory_space<semaphore_mem>>)
        %dma_wait3A_90 = arith.constant 0 : i32
        %dma_wait3A_91 = tpu.memref_slice %arg8[%mul3A_57, %dma_wait3A_90] : memref<320000x128xf32, #tpu.memory_space<hbm>> -> memref<128x128xf32, #tpu.memory_space<hbm>>
        %dma_wait3A_92 = arith.constant 0 : i32
        %dma_wait3A_93 = tpu.memref_slice %arg8[%mul3A_57, %dma_wait3A_92] : memref<320000x128xf32, #tpu.memory_space<hbm>> -> memref<128x128xf32, #tpu.memory_space<hbm>>
        tpu.wait_dma2 semaphore(%run_scoped3A : memref<!tpu.dma_semaphore, #tpu.memory_space<semaphore_mem>>) src(%arg14 : memref<128x128xf32, #tpu.memory_space<vmem>>) dst(%dma_wait3A_93 : memref<128x128xf32, #tpu.memory_space<hbm>>)
        tpu.yield
      }) : () -> ()
      %dma_wait3A_80 = arith.constant 0 : i32
      %dma_wait3A_81 = arith.constant 0 : i32
      %dma_wait3A_82 = tpu.memref_slice %arg6[%dma_wait3A_80, %dma_wait3A_81] : memref<10001x128xf32, #tpu.memory_space<hbm>> -> memref<10001x128xf32, #tpu.memory_space<hbm>>
      tpu.wait_indirect_dma semaphore(%arg17 : memref<!tpu.dma_semaphore, #tpu.memory_space<semaphore_mem>>) src(%dma_wait3A_82 : memref<10001x128xf32, #tpu.memory_space<hbm>>) dst(%arg15 : memref<128x128xf32, #tpu.memory_space<vmem>>)
      "tpu.region"() ({
        %run_scoped3A = tpu.sem_alloc : memref<!tpu.dma_semaphore, #tpu.memory_space<semaphore_mem>>
        %dma_start3A_86 = arith.constant 0 : i32
        %dma_start3A_87 = tpu.memref_slice %arg9[%mul3A_57, %dma_start3A_86] : memref<320000x128xf32, #tpu.memory_space<hbm>> -> memref<128x128xf32, #tpu.memory_space<hbm>>
        %dma_start3A_88 = arith.constant 0 : i32
        %dma_start3A_89 = tpu.memref_slice %arg9[%mul3A_57, %dma_start3A_88] : memref<320000x128xf32, #tpu.memory_space<hbm>> -> memref<128x128xf32, #tpu.memory_space<hbm>>
        tpu.enqueue_dma source(%arg15 : memref<128x128xf32, #tpu.memory_space<vmem>>) target(%dma_start3A_89 : memref<128x128xf32, #tpu.memory_space<hbm>>) target_semaphore(%run_scoped3A : memref<!tpu.dma_semaphore, #tpu.memory_space<semaphore_mem>>)
        %dma_wait3A_90 = arith.constant 0 : i32
        %dma_wait3A_91 = tpu.memref_slice %arg9[%mul3A_57, %dma_wait3A_90] : memref<320000x128xf32, #tpu.memory_space<hbm>> -> memref<128x128xf32, #tpu.memory_space<hbm>>
        %dma_wait3A_92 = arith.constant 0 : i32
        %dma_wait3A_93 = tpu.memref_slice %arg9[%mul3A_57, %dma_wait3A_92] : memref<320000x128xf32, #tpu.memory_space<hbm>> -> memref<128x128xf32, #tpu.memory_space<hbm>>
        tpu.wait_dma2 semaphore(%run_scoped3A : memref<!tpu.dma_semaphore, #tpu.memory_space<semaphore_mem>>) src(%arg15 : memref<128x128xf32, #tpu.memory_space<vmem>>) dst(%dma_wait3A_93 : memref<128x128xf32, #tpu.memory_space<hbm>>)
        tpu.yield
      }) : () -> ()
      %dma_wait3A_83 = arith.constant 0 : i32
      %dma_wait3A_84 = arith.constant 0 : i32
      %dma_wait3A_85 = tpu.memref_slice %arg7[%dma_wait3A_83, %dma_wait3A_84] : memref<10240x128xf32, #tpu.memory_space<hbm>> -> memref<10240x128xf32, #tpu.memory_space<hbm>>
      tpu.wait_indirect_dma semaphore(%arg17 : memref<!tpu.dma_semaphore, #tpu.memory_space<semaphore_mem>>) src(%dma_wait3A_85 : memref<10240x128xf32, #tpu.memory_space<hbm>>) dst(%arg16 : memref<128x128xf32, #tpu.memory_space<vmem>>)
      "tpu.region"() ({
        %run_scoped3A = tpu.sem_alloc : memref<!tpu.dma_semaphore, #tpu.memory_space<semaphore_mem>>
        %dma_start3A_86 = arith.constant 0 : i32
        %dma_start3A_87 = tpu.memref_slice %arg10[%mul3A_57, %dma_start3A_86] : memref<320000x128xf32, #tpu.memory_space<hbm>> -> memref<128x128xf32, #tpu.memory_space<hbm>>
        %dma_start3A_88 = arith.constant 0 : i32
        %dma_start3A_89 = tpu.memref_slice %arg10[%mul3A_57, %dma_start3A_88] : memref<320000x128xf32, #tpu.memory_space<hbm>> -> memref<128x128xf32, #tpu.memory_space<hbm>>
        tpu.enqueue_dma source(%arg16 : memref<128x128xf32, #tpu.memory_space<vmem>>) target(%dma_start3A_89 : memref<128x128xf32, #tpu.memory_space<hbm>>) target_semaphore(%run_scoped3A : memref<!tpu.dma_semaphore, #tpu.memory_space<semaphore_mem>>)
        %dma_wait3A_90 = arith.constant 0 : i32
        %dma_wait3A_91 = tpu.memref_slice %arg10[%mul3A_57, %dma_wait3A_90] : memref<320000x128xf32, #tpu.memory_space<hbm>> -> memref<128x128xf32, #tpu.memory_space<hbm>>
        %dma_wait3A_92 = arith.constant 0 : i32
        %dma_wait3A_93 = tpu.memref_slice %arg10[%mul3A_57, %dma_wait3A_92] : memref<320000x128xf32, #tpu.memory_space<hbm>> -> memref<128x128xf32, #tpu.memory_space<hbm>>
        tpu.wait_dma2 semaphore(%run_scoped3A : memref<!tpu.dma_semaphore, #tpu.memory_space<semaphore_mem>>) src(%arg16 : memref<128x128xf32, #tpu.memory_space<vmem>>) dst(%dma_wait3A_93 : memref<128x128xf32, #tpu.memory_space<hbm>>)
        tpu.yield
      }) : () -> ()
    }
    return
  }
}

#map = affine_map<(d0, d1) -> (0, 0)>
#map1 = affine_map<(d0, d1) -> (0)>
#map2 = affine_map<(d0, d1) -> (0, 0, 0)>
module attributes {stable_mosaic.version = 14 : i64} {
  func.func @_msg_scatter_body(%arg0: i32, %arg1: i32, %arg2: memref<320000x128xf32, #tpu.memory_space<hbm>>, %arg3: memref<320000xi32, #tpu.memory_space<hbm>>, %arg4: memref<10000x128xf32, #tpu.memory_space<hbm>>, %arg5: memref<2x10000x128xf32, #tpu.memory_space<hbm>>, %arg6: memref<128x128xf32, #tpu.memory_space<vmem>>, %arg7: memref<128xi32, #tpu.memory_space<vmem>>, %arg8: memref<!tpu.dma_semaphore, #tpu.memory_space<semaphore_mem>>, %arg9: memref<10000x128xf32, #tpu.memory_space<vmem_shared>>) attributes {dimension_semantics = [#tpu.dimension_semantics<core_parallel>, #tpu.dimension_semantics<subcore_parallel>], iteration_bounds = array<i64: 2, 16>, scalar_prefetch = 0 : i64, scratch_operands = 4 : i64, tpu.core_type = #tpu.core_type<sc_vector_subcore>, window_params = [{transform_indices = #map}, {transform_indices = #map1}, {transform_indices = #map}, {transform_indices = #map2}]} {
    %mul3A = arith.constant 2 : i32
    %mul3A_0 = arith.muli %arg1, %mul3A : i32
    %add3A = arith.addi %mul3A_0, %arg0 : i32
    %eq3A = arith.constant 0 : i32
    %eq3A_1 = arith.cmpi eq, %arg1, %eq3A : i32
    %convert_element_type3A = arith.extui %eq3A_1 : i1 to i32
    %cond3A = arith.constant 0 : i32
    %cond3A_2 = arith.cmpi ne, %convert_element_type3A, %cond3A : i32
    scf.if %cond3A_2 {
      "tpu.region"() ({
        %run_scoped3A = tpu.sem_alloc : memref<!tpu.dma_semaphore, #tpu.memory_space<semaphore_mem>>
        tpu.enqueue_dma source(%arg4 : memref<10000x128xf32, #tpu.memory_space<hbm>>) target(%arg9 : memref<10000x128xf32, #tpu.memory_space<vmem_shared>>) target_semaphore(%run_scoped3A : memref<!tpu.dma_semaphore, #tpu.memory_space<semaphore_mem>>)
        tpu.wait_dma2 semaphore(%run_scoped3A : memref<!tpu.dma_semaphore, #tpu.memory_space<semaphore_mem>>) src(%arg4 : memref<10000x128xf32, #tpu.memory_space<hbm>>) dst(%arg9 : memref<10000x128xf32, #tpu.memory_space<vmem_shared>>)
        tpu.yield
      }) : () -> ()
    } else {
    }
    %barrier3A = arith.constant 0 : index
    tpu.barrier barrier_id(%barrier3A)
    %mul3A_3 = arith.constant 2500 : i32
    %mul3A_4 = arith.muli %add3A, %mul3A_3 : i32
    %jit3A = arith.constant 32 : i32
    %div3A = arith.divsi %mul3A_4, %jit3A : i32
    %sign3A = arith.constant 0 : i32
    %sign3A_5 = arith.cmpi sgt, %mul3A_4, %sign3A : i32
    %sign3A_6 = arith.extui %sign3A_5 : i1 to i32
    %sign3A_7 = arith.constant 0 : i32
    %sign3A_8 = arith.cmpi slt, %mul3A_4, %sign3A_7 : i32
    %sign3A_9 = arith.extui %sign3A_8 : i1 to i32
    %sign3A_10 = arith.subi %sign3A_6, %sign3A_9 : i32
    %sign3A_11 = arith.constant 0 : i32
    %sign3A_12 = arith.cmpi sgt, %jit3A, %sign3A_11 : i32
    %sign3A_13 = arith.extui %sign3A_12 : i1 to i32
    %sign3A_14 = arith.constant 0 : i32
    %sign3A_15 = arith.cmpi slt, %jit3A, %sign3A_14 : i32
    %sign3A_16 = arith.extui %sign3A_15 : i1 to i32
    %sign3A_17 = arith.subi %sign3A_13, %sign3A_16 : i32
    %ne3A = arith.cmpi ne, %sign3A_10, %sign3A_17 : i32
    %rem3A = arith.remsi %mul3A_4, %jit3A : i32
    %ne3A_18 = arith.constant 0 : i32
    %ne3A_19 = arith.cmpi ne, %rem3A, %ne3A_18 : i32
    %and3A = arith.andi %ne3A, %ne3A_19 : i1
    %sub3A = arith.constant 1 : i32
    %sub3A_20 = arith.subi %div3A, %sub3A : i32
    %select_n3A = arith.select %and3A, %sub3A_20, %div3A : i32
    %add3A_21 = arith.constant 1 : i32
    %add3A_22 = arith.addi %add3A, %add3A_21 : i32
    %mul3A_23 = arith.constant 2500 : i32
    %mul3A_24 = arith.muli %add3A_22, %mul3A_23 : i32
    %jit3A_25 = arith.constant 32 : i32
    %div3A_26 = arith.divsi %mul3A_24, %jit3A_25 : i32
    %sign3A_27 = arith.constant 0 : i32
    %sign3A_28 = arith.cmpi sgt, %mul3A_24, %sign3A_27 : i32
    %sign3A_29 = arith.extui %sign3A_28 : i1 to i32
    %sign3A_30 = arith.constant 0 : i32
    %sign3A_31 = arith.cmpi slt, %mul3A_24, %sign3A_30 : i32
    %sign3A_32 = arith.extui %sign3A_31 : i1 to i32
    %sign3A_33 = arith.subi %sign3A_29, %sign3A_32 : i32
    %sign3A_34 = arith.constant 0 : i32
    %sign3A_35 = arith.cmpi sgt, %jit3A_25, %sign3A_34 : i32
    %sign3A_36 = arith.extui %sign3A_35 : i1 to i32
    %sign3A_37 = arith.constant 0 : i32
    %sign3A_38 = arith.cmpi slt, %jit3A_25, %sign3A_37 : i32
    %sign3A_39 = arith.extui %sign3A_38 : i1 to i32
    %sign3A_40 = arith.subi %sign3A_36, %sign3A_39 : i32
    %ne3A_41 = arith.cmpi ne, %sign3A_33, %sign3A_40 : i32
    %rem3A_42 = arith.remsi %mul3A_24, %jit3A_25 : i32
    %ne3A_43 = arith.constant 0 : i32
    %ne3A_44 = arith.cmpi ne, %rem3A_42, %ne3A_43 : i32
    %and3A_45 = arith.andi %ne3A_41, %ne3A_44 : i1
    %sub3A_46 = arith.constant 1 : i32
    %sub3A_47 = arith.subi %div3A_26, %sub3A_46 : i32
    %select_n3A_48 = arith.select %and3A_45, %sub3A_47, %div3A_26 : i32
    %while3A = arith.constant 0 : i32
    %while3A_49 = arith.subi %select_n3A_48, %select_n3A : i32
    %while3A_50 = arith.addi %select_n3A, %while3A_49 : i32
    %while3A_51 = arith.constant 1 : i32
    %while3A_52 = arith.divsi %while3A_49, %while3A_51 : i32
    %while3A_53 = arith.muli %while3A_52, %while3A_51 : i32
    %while3A_54 = arith.addi %select_n3A, %while3A_53 : i32
    %while3A_55 = arith.constant 1 : i32
    scf.for %while3A_63 = %select_n3A to %while3A_54 step %while3A_55  : i32 {
      %mul3A_64 = arith.constant 128 : i32
      %mul3A_65 = arith.muli %while3A_63, %mul3A_64 : i32
      "tpu.region"() ({
        %run_scoped3A = tpu.sem_alloc : memref<!tpu.dma_semaphore, #tpu.memory_space<semaphore_mem>>
        %dma_start3A = arith.constant 0 : i32
        %dma_start3A_66 = tpu.memref_slice %arg2[%mul3A_65, %dma_start3A] : memref<320000x128xf32, #tpu.memory_space<hbm>> -> memref<128x128xf32, #tpu.memory_space<hbm>>
        %dma_start3A_67 = arith.constant 0 : i32
        %dma_start3A_68 = tpu.memref_slice %arg2[%mul3A_65, %dma_start3A_67] : memref<320000x128xf32, #tpu.memory_space<hbm>> -> memref<128x128xf32, #tpu.memory_space<hbm>>
        tpu.enqueue_dma source(%dma_start3A_68 : memref<128x128xf32, #tpu.memory_space<hbm>>) target(%arg6 : memref<128x128xf32, #tpu.memory_space<vmem>>) target_semaphore(%run_scoped3A : memref<!tpu.dma_semaphore, #tpu.memory_space<semaphore_mem>>)
        %dma_wait3A = arith.constant 0 : i32
        %dma_wait3A_69 = tpu.memref_slice %arg2[%mul3A_65, %dma_wait3A] : memref<320000x128xf32, #tpu.memory_space<hbm>> -> memref<128x128xf32, #tpu.memory_space<hbm>>
        %dma_wait3A_70 = arith.constant 0 : i32
        %dma_wait3A_71 = tpu.memref_slice %arg2[%mul3A_65, %dma_wait3A_70] : memref<320000x128xf32, #tpu.memory_space<hbm>> -> memref<128x128xf32, #tpu.memory_space<hbm>>
        tpu.wait_dma2 semaphore(%run_scoped3A : memref<!tpu.dma_semaphore, #tpu.memory_space<semaphore_mem>>) src(%dma_wait3A_71 : memref<128x128xf32, #tpu.memory_space<hbm>>) dst(%arg6 : memref<128x128xf32, #tpu.memory_space<vmem>>)
        tpu.yield
      }) : () -> ()
      "tpu.region"() ({
        %run_scoped3A = tpu.sem_alloc : memref<!tpu.dma_semaphore, #tpu.memory_space<semaphore_mem>>
        %dma_start3A = tpu.memref_slice %arg3[%mul3A_65] : memref<320000xi32, #tpu.memory_space<hbm>> -> memref<128xi32, #tpu.memory_space<hbm>>
        %dma_start3A_66 = tpu.memref_slice %arg3[%mul3A_65] : memref<320000xi32, #tpu.memory_space<hbm>> -> memref<128xi32, #tpu.memory_space<hbm>>
        tpu.enqueue_dma source(%dma_start3A_66 : memref<128xi32, #tpu.memory_space<hbm>>) target(%arg7 : memref<128xi32, #tpu.memory_space<vmem>>) target_semaphore(%run_scoped3A : memref<!tpu.dma_semaphore, #tpu.memory_space<semaphore_mem>>)
        %dma_wait3A = tpu.memref_slice %arg3[%mul3A_65] : memref<320000xi32, #tpu.memory_space<hbm>> -> memref<128xi32, #tpu.memory_space<hbm>>
        %dma_wait3A_67 = tpu.memref_slice %arg3[%mul3A_65] : memref<320000xi32, #tpu.memory_space<hbm>> -> memref<128xi32, #tpu.memory_space<hbm>>
        tpu.wait_dma2 semaphore(%run_scoped3A : memref<!tpu.dma_semaphore, #tpu.memory_space<semaphore_mem>>) src(%dma_wait3A_67 : memref<128xi32, #tpu.memory_space<hbm>>) dst(%arg7 : memref<128xi32, #tpu.memory_space<vmem>>)
        tpu.yield
      }) : () -> ()
      "tpu.region"() ({
        %run_scoped3A = tpu.sem_alloc : memref<!tpu.dma_semaphore, #tpu.memory_space<semaphore_mem>>
        %dma_start3A = arith.constant 0 : i32
        %dma_start3A_66 = arith.constant 0 : i32
        %dma_start3A_67 = tpu.memref_slice %arg9[%dma_start3A, %dma_start3A_66] : memref<10000x128xf32, #tpu.memory_space<vmem_shared>> -> memref<10000x128xf32, #tpu.memory_space<vmem_shared>>
        tpu.enqueue_indirect_dma source(%arg6 : memref<128x128xf32, #tpu.memory_space<vmem>>) target(%dma_start3A_67 : memref<10000x128xf32, #tpu.memory_space<vmem_shared>>) offsets(%arg7 : memref<128xi32, #tpu.memory_space<vmem>>) semaphore(%run_scoped3A : memref<!tpu.dma_semaphore, #tpu.memory_space<semaphore_mem>>) {add = true}
        %dma_wait3A = arith.constant 0 : i32
        %dma_wait3A_68 = arith.constant 0 : i32
        %dma_wait3A_69 = tpu.memref_slice %arg9[%dma_wait3A, %dma_wait3A_68] : memref<10000x128xf32, #tpu.memory_space<vmem_shared>> -> memref<10000x128xf32, #tpu.memory_space<vmem_shared>>
        tpu.wait_indirect_dma semaphore(%run_scoped3A : memref<!tpu.dma_semaphore, #tpu.memory_space<semaphore_mem>>) src(%arg6 : memref<128x128xf32, #tpu.memory_space<vmem>>) dst(%dma_wait3A_69 : memref<10000x128xf32, #tpu.memory_space<vmem_shared>>)
        tpu.yield
      }) : () -> ()
    }
    %while3A_56 = arith.constant 1 : i32
    scf.for %while3A_63 = %while3A_54 to %while3A_50 step %while3A_56  : i32 {
      %mul3A_64 = arith.constant 128 : i32
      %mul3A_65 = arith.muli %while3A_63, %mul3A_64 : i32
      "tpu.region"() ({
        %run_scoped3A = tpu.sem_alloc : memref<!tpu.dma_semaphore, #tpu.memory_space<semaphore_mem>>
        %dma_start3A = arith.constant 0 : i32
        %dma_start3A_66 = tpu.memref_slice %arg2[%mul3A_65, %dma_start3A] : memref<320000x128xf32, #tpu.memory_space<hbm>> -> memref<128x128xf32, #tpu.memory_space<hbm>>
        %dma_start3A_67 = arith.constant 0 : i32
        %dma_start3A_68 = tpu.memref_slice %arg2[%mul3A_65, %dma_start3A_67] : memref<320000x128xf32, #tpu.memory_space<hbm>> -> memref<128x128xf32, #tpu.memory_space<hbm>>
        tpu.enqueue_dma source(%dma_start3A_68 : memref<128x128xf32, #tpu.memory_space<hbm>>) target(%arg6 : memref<128x128xf32, #tpu.memory_space<vmem>>) target_semaphore(%run_scoped3A : memref<!tpu.dma_semaphore, #tpu.memory_space<semaphore_mem>>)
        %dma_wait3A = arith.constant 0 : i32
        %dma_wait3A_69 = tpu.memref_slice %arg2[%mul3A_65, %dma_wait3A] : memref<320000x128xf32, #tpu.memory_space<hbm>> -> memref<128x128xf32, #tpu.memory_space<hbm>>
        %dma_wait3A_70 = arith.constant 0 : i32
        %dma_wait3A_71 = tpu.memref_slice %arg2[%mul3A_65, %dma_wait3A_70] : memref<320000x128xf32, #tpu.memory_space<hbm>> -> memref<128x128xf32, #tpu.memory_space<hbm>>
        tpu.wait_dma2 semaphore(%run_scoped3A : memref<!tpu.dma_semaphore, #tpu.memory_space<semaphore_mem>>) src(%dma_wait3A_71 : memref<128x128xf32, #tpu.memory_space<hbm>>) dst(%arg6 : memref<128x128xf32, #tpu.memory_space<vmem>>)
        tpu.yield
      }) : () -> ()
      "tpu.region"() ({
        %run_scoped3A = tpu.sem_alloc : memref<!tpu.dma_semaphore, #tpu.memory_space<semaphore_mem>>
        %dma_start3A = tpu.memref_slice %arg3[%mul3A_65] : memref<320000xi32, #tpu.memory_space<hbm>> -> memref<128xi32, #tpu.memory_space<hbm>>
        %dma_start3A_66 = tpu.memref_slice %arg3[%mul3A_65] : memref<320000xi32, #tpu.memory_space<hbm>> -> memref<128xi32, #tpu.memory_space<hbm>>
        tpu.enqueue_dma source(%dma_start3A_66 : memref<128xi32, #tpu.memory_space<hbm>>) target(%arg7 : memref<128xi32, #tpu.memory_space<vmem>>) target_semaphore(%run_scoped3A : memref<!tpu.dma_semaphore, #tpu.memory_space<semaphore_mem>>)
        %dma_wait3A = tpu.memref_slice %arg3[%mul3A_65] : memref<320000xi32, #tpu.memory_space<hbm>> -> memref<128xi32, #tpu.memory_space<hbm>>
        %dma_wait3A_67 = tpu.memref_slice %arg3[%mul3A_65] : memref<320000xi32, #tpu.memory_space<hbm>> -> memref<128xi32, #tpu.memory_space<hbm>>
        tpu.wait_dma2 semaphore(%run_scoped3A : memref<!tpu.dma_semaphore, #tpu.memory_space<semaphore_mem>>) src(%dma_wait3A_67 : memref<128xi32, #tpu.memory_space<hbm>>) dst(%arg7 : memref<128xi32, #tpu.memory_space<vmem>>)
        tpu.yield
      }) : () -> ()
      "tpu.region"() ({
        %run_scoped3A = tpu.sem_alloc : memref<!tpu.dma_semaphore, #tpu.memory_space<semaphore_mem>>
        %dma_start3A = arith.constant 0 : i32
        %dma_start3A_66 = arith.constant 0 : i32
        %dma_start3A_67 = tpu.memref_slice %arg9[%dma_start3A, %dma_start3A_66] : memref<10000x128xf32, #tpu.memory_space<vmem_shared>> -> memref<10000x128xf32, #tpu.memory_space<vmem_shared>>
        tpu.enqueue_indirect_dma source(%arg6 : memref<128x128xf32, #tpu.memory_space<vmem>>) target(%dma_start3A_67 : memref<10000x128xf32, #tpu.memory_space<vmem_shared>>) offsets(%arg7 : memref<128xi32, #tpu.memory_space<vmem>>) semaphore(%run_scoped3A : memref<!tpu.dma_semaphore, #tpu.memory_space<semaphore_mem>>) {add = true}
        %dma_wait3A = arith.constant 0 : i32
        %dma_wait3A_68 = arith.constant 0 : i32
        %dma_wait3A_69 = tpu.memref_slice %arg9[%dma_wait3A, %dma_wait3A_68] : memref<10000x128xf32, #tpu.memory_space<vmem_shared>> -> memref<10000x128xf32, #tpu.memory_space<vmem_shared>>
        tpu.wait_indirect_dma semaphore(%run_scoped3A : memref<!tpu.dma_semaphore, #tpu.memory_space<semaphore_mem>>) src(%arg6 : memref<128x128xf32, #tpu.memory_space<vmem>>) dst(%dma_wait3A_69 : memref<10000x128xf32, #tpu.memory_space<vmem_shared>>)
        tpu.yield
      }) : () -> ()
    }
    %barrier3A_57 = arith.constant 0 : index
    tpu.barrier barrier_id(%barrier3A_57)
    %eq3A_58 = arith.constant 0 : i32
    %eq3A_59 = arith.cmpi eq, %arg1, %eq3A_58 : i32
    %convert_element_type3A_60 = arith.extui %eq3A_59 : i1 to i32
    %cond3A_61 = arith.constant 0 : i32
    %cond3A_62 = arith.cmpi ne, %convert_element_type3A_60, %cond3A_61 : i32
    scf.if %cond3A_62 {
      "tpu.region"() ({
        %run_scoped3A = tpu.sem_alloc : memref<!tpu.dma_semaphore, #tpu.memory_space<semaphore_mem>>
        %dma_start3A = arith.constant 0 : i32
        %dma_start3A_63 = arith.constant 0 : i32
        %dma_start3A_64 = tpu.memref_slice %arg5[%arg0, %dma_start3A, %dma_start3A_63] : memref<2x10000x128xf32, #tpu.memory_space<hbm>> -> memref<1x10000x128xf32, #tpu.memory_space<hbm>>
        %dma_start3A_65 = tpu.memref_squeeze %dma_start3A_64 : memref<1x10000x128xf32, #tpu.memory_space<hbm>> -> memref<10000x128xf32, #tpu.memory_space<hbm>>
        tpu.enqueue_dma source(%arg9 : memref<10000x128xf32, #tpu.memory_space<vmem_shared>>) target(%dma_start3A_65 : memref<10000x128xf32, #tpu.memory_space<hbm>>) target_semaphore(%run_scoped3A : memref<!tpu.dma_semaphore, #tpu.memory_space<semaphore_mem>>)
        %dma_wait3A = arith.constant 0 : i32
        %dma_wait3A_66 = arith.constant 0 : i32
        %dma_wait3A_67 = tpu.memref_slice %arg5[%arg0, %dma_wait3A, %dma_wait3A_66] : memref<2x10000x128xf32, #tpu.memory_space<hbm>> -> memref<1x10000x128xf32, #tpu.memory_space<hbm>>
        %dma_wait3A_68 = tpu.memref_squeeze %dma_wait3A_67 : memref<1x10000x128xf32, #tpu.memory_space<hbm>> -> memref<10000x128xf32, #tpu.memory_space<hbm>>
        tpu.wait_dma2 semaphore(%run_scoped3A : memref<!tpu.dma_semaphore, #tpu.memory_space<semaphore_mem>>) src(%arg9 : memref<10000x128xf32, #tpu.memory_space<vmem_shared>>) dst(%dma_wait3A_68 : memref<10000x128xf32, #tpu.memory_space<hbm>>)
        tpu.yield
      }) : () -> ()
    } else {
    }
    return
  }
}

module attributes {stable_mosaic.version = 14 : i64} {
  func.func @_dense_body(%arg0: i32, %arg1: memref<2000x128xf32, #tpu.memory_space<vmem>>, %arg2: memref<2000x128xf32, #tpu.memory_space<vmem>>, %arg3: memref<2000x128xf32, #tpu.memory_space<vmem>>, %arg4: memref<128x256xf32, #tpu.memory_space<vmem>>, %arg5: memref<128x256xf32, #tpu.memory_space<vmem>>, %arg6: memref<128x256xf32, #tpu.memory_space<vmem>>, %arg7: memref<1x256xf32, #tpu.memory_space<vmem>>, %arg8: memref<128x128xf32, #tpu.memory_space<vmem>>, %arg9: memref<128x128xf32, #tpu.memory_space<vmem>>, %arg10: memref<1x128xf32, #tpu.memory_space<vmem>>, %arg11: memref<128x128xf32, #tpu.memory_space<vmem>>, %arg12: memref<128x128xf32, #tpu.memory_space<vmem>>, %arg13: memref<128x128xf32, #tpu.memory_space<vmem>>, %arg14: memref<1x128xf32, #tpu.memory_space<vmem>>, %arg15: memref<1x128xf32, #tpu.memory_space<vmem>>, %arg16: memref<2000x128xf32, #tpu.memory_space<vmem>>) attributes {dimension_semantics = [#tpu.dimension_semantics<arbitrary>], iteration_bounds = array<i64: 160>, scalar_prefetch = 0 : i64, scratch_operands = 0 : i64, tpu.core_type = #tpu.core_type<tc>, window_params = [{transform_indices = @transform_0, window_bounds = array<i64: 2000, 128>}, {transform_indices = @transform_1, window_bounds = array<i64: 2000, 128>}, {transform_indices = @transform_2, window_bounds = array<i64: 2000, 128>}, {pipeline_mode = #tpu.pipeline_mode<synchronous>, transform_indices = @transform_3, window_bounds = array<i64: 128, 256>}, {pipeline_mode = #tpu.pipeline_mode<synchronous>, transform_indices = @transform_4, window_bounds = array<i64: 128, 256>}, {pipeline_mode = #tpu.pipeline_mode<synchronous>, transform_indices = @transform_5, window_bounds = array<i64: 128, 256>}, {pipeline_mode = #tpu.pipeline_mode<synchronous>, transform_indices = @transform_6, window_bounds = array<i64: 1, 256>}, {pipeline_mode = #tpu.pipeline_mode<synchronous>, transform_indices = @transform_7, window_bounds = array<i64: 128, 128>}, {pipeline_mode = #tpu.pipeline_mode<synchronous>, transform_indices = @transform_8, window_bounds = array<i64: 128, 128>}, {pipeline_mode = #tpu.pipeline_mode<synchronous>, transform_indices = @transform_9, window_bounds = array<i64: 1, 128>}, {pipeline_mode = #tpu.pipeline_mode<synchronous>, transform_indices = @transform_10, window_bounds = array<i64: 128, 128>}, {pipeline_mode = #tpu.pipeline_mode<synchronous>, transform_indices = @transform_11, window_bounds = array<i64: 128, 128>}, {pipeline_mode = #tpu.pipeline_mode<synchronous>, transform_indices = @transform_12, window_bounds = array<i64: 128, 128>}, {pipeline_mode = #tpu.pipeline_mode<synchronous>, transform_indices = @transform_13, window_bounds = array<i64: 1, 128>}, {pipeline_mode = #tpu.pipeline_mode<synchronous>, transform_indices = @transform_14, window_bounds = array<i64: 1, 128>}, {transform_indices = @transform_15, window_bounds = array<i64: 2000, 128>}]} {
    %get3A = arith.constant 0 : index
    %get3A_0 = arith.constant 0 : index
    %get3A_1 = vector.load %arg1[%get3A, %get3A_0] : memref<2000x128xf32, #tpu.memory_space<vmem>>, vector<2000x128xf32>
    %get3A_2 = arith.constant 0 : index
    %get3A_3 = arith.constant 0 : index
    %get3A_4 = vector.load %arg2[%get3A_2, %get3A_3] : memref<2000x128xf32, #tpu.memory_space<vmem>>, vector<2000x128xf32>
    %get3A_5 = arith.constant 0 : index
    %get3A_6 = arith.constant 0 : index
    %get3A_7 = vector.load %arg3[%get3A_5, %get3A_6] : memref<2000x128xf32, #tpu.memory_space<vmem>>, vector<2000x128xf32>
    %get3A_8 = arith.constant 0 : index
    %get3A_9 = arith.constant 0 : index
    %get3A_10 = vector.load %arg4[%get3A_8, %get3A_9] : memref<128x256xf32, #tpu.memory_space<vmem>>, vector<128x256xf32>
    %dot_general3A = arith.constant dense<0.000000e+00> : vector<2000x256xf32>
    %dot_general3A_11 = tpu.matmul %get3A_4, %get3A_10, %dot_general3A {dimension_numbers = #tpu.dot_dimension_numbers<[1], [0], [0], [1], [0, 0, 1, 1], [], []>, transpose_lhs_hint = false} : vector<2000x128xf32>, vector<128x256xf32>, vector<2000x256xf32> -> vector<2000x256xf32>
    %get3A_12 = arith.constant 0 : index
    %get3A_13 = arith.constant 0 : index
    %get3A_14 = vector.load %arg5[%get3A_12, %get3A_13] : memref<128x256xf32, #tpu.memory_space<vmem>>, vector<128x256xf32>
    %dot_general3A_15 = arith.constant dense<0.000000e+00> : vector<2000x256xf32>
    %dot_general3A_16 = tpu.matmul %get3A_7, %get3A_14, %dot_general3A_15 {dimension_numbers = #tpu.dot_dimension_numbers<[1], [0], [0], [1], [0, 0, 1, 1], [], []>, transpose_lhs_hint = false} : vector<2000x128xf32>, vector<128x256xf32>, vector<2000x256xf32> -> vector<2000x256xf32>
    %add3A = arith.addf %dot_general3A_11, %dot_general3A_16 : vector<2000x256xf32>
    %get3A_17 = arith.constant 0 : index
    %get3A_18 = arith.constant 0 : index
    %get3A_19 = vector.load %arg6[%get3A_17, %get3A_18] : memref<128x256xf32, #tpu.memory_space<vmem>>, vector<128x256xf32>
    %dot_general3A_20 = arith.constant dense<0.000000e+00> : vector<2000x256xf32>
    %dot_general3A_21 = tpu.matmul %get3A_1, %get3A_19, %dot_general3A_20 {dimension_numbers = #tpu.dot_dimension_numbers<[1], [0], [0], [1], [0, 0, 1, 1], [], []>, transpose_lhs_hint = false} : vector<2000x128xf32>, vector<128x256xf32>, vector<2000x256xf32> -> vector<2000x256xf32>
    %add3A_22 = arith.addf %add3A, %dot_general3A_21 : vector<2000x256xf32>
    %get3A_23 = arith.constant 0 : index
    %get3A_24 = arith.constant 0 : index
    %get3A_25 = vector.load %arg7[%get3A_23, %get3A_24] : memref<1x256xf32, #tpu.memory_space<vmem>>, vector<1x256xf32>
    %add3A_26 = vector.broadcast %get3A_25 : vector<1x256xf32> to vector<2000x256xf32>
    %add3A_27 = arith.addf %add3A_22, %add3A_26 : vector<2000x256xf32>
    %logistic3A = arith.negf %add3A_27 : vector<2000x256xf32>
    %logistic3A_28 = math.exp %logistic3A : vector<2000x256xf32>
    %logistic3A_29 = arith.constant 1.000000e+00 : f32
    %logistic3A_30 = vector.broadcast %logistic3A_29 : f32 to vector<2000x256xf32>
    %logistic3A_31 = arith.addf %logistic3A_30, %logistic3A_28 : vector<2000x256xf32>
    %logistic3A_32 = arith.divf %logistic3A_30, %logistic3A_31 : vector<2000x256xf32>
    %slice3A = vector.extract_strided_slice %logistic3A_32 {offsets = [0, 0], sizes = [2000, 128], strides = [1, 1]} : vector<2000x256xf32> to vector<2000x128xf32>
    %slice3A_33 = vector.extract_strided_slice %logistic3A_32 {offsets = [0, 128], sizes = [2000, 128], strides = [1, 1]} : vector<2000x256xf32> to vector<2000x128xf32>
    %get3A_34 = arith.constant 0 : index
    %get3A_35 = arith.constant 0 : index
    %get3A_36 = vector.load %arg8[%get3A_34, %get3A_35] : memref<128x128xf32, #tpu.memory_space<vmem>>, vector<128x128xf32>
    %dot_general3A_37 = arith.constant dense<0.000000e+00> : vector<2000x128xf32>
    %dot_general3A_38 = tpu.matmul %get3A_4, %get3A_36, %dot_general3A_37 {dimension_numbers = #tpu.dot_dimension_numbers<[1], [0], [0], [1], [0, 0, 1, 1], [], []>, transpose_lhs_hint = false} : vector<2000x128xf32>, vector<128x128xf32>, vector<2000x128xf32> -> vector<2000x128xf32>
    %mul3A = arith.mulf %slice3A_33, %get3A_1 : vector<2000x128xf32>
    %get3A_39 = arith.constant 0 : index
    %get3A_40 = arith.constant 0 : index
    %get3A_41 = vector.load %arg9[%get3A_39, %get3A_40] : memref<128x128xf32, #tpu.memory_space<vmem>>, vector<128x128xf32>
    %dot_general3A_42 = arith.constant dense<0.000000e+00> : vector<2000x128xf32>
    %dot_general3A_43 = tpu.matmul %mul3A, %get3A_41, %dot_general3A_42 {dimension_numbers = #tpu.dot_dimension_numbers<[1], [0], [0], [1], [0, 0, 1, 1], [], []>, transpose_lhs_hint = false} : vector<2000x128xf32>, vector<128x128xf32>, vector<2000x128xf32> -> vector<2000x128xf32>
    %add3A_44 = arith.addf %dot_general3A_38, %dot_general3A_43 : vector<2000x128xf32>
    %get3A_45 = arith.constant 0 : index
    %get3A_46 = arith.constant 0 : index
    %get3A_47 = vector.load %arg10[%get3A_45, %get3A_46] : memref<1x128xf32, #tpu.memory_space<vmem>>, vector<1x128xf32>
    %add3A_48 = vector.broadcast %get3A_47 : vector<1x128xf32> to vector<2000x128xf32>
    %add3A_49 = arith.addf %add3A_44, %add3A_48 : vector<2000x128xf32>
    %tanh3A = math.tanh %add3A_49 : vector<2000x128xf32>
    %get3A_50 = arith.constant 0 : index
    %get3A_51 = arith.constant 0 : index
    %get3A_52 = vector.load %arg11[%get3A_50, %get3A_51] : memref<128x128xf32, #tpu.memory_space<vmem>>, vector<128x128xf32>
    %dot_general3A_53 = arith.constant dense<0.000000e+00> : vector<2000x128xf32>
    %dot_general3A_54 = tpu.matmul %get3A_1, %get3A_52, %dot_general3A_53 {dimension_numbers = #tpu.dot_dimension_numbers<[1], [0], [0], [1], [0, 0, 1, 1], [], []>, transpose_lhs_hint = false} : vector<2000x128xf32>, vector<128x128xf32>, vector<2000x128xf32> -> vector<2000x128xf32>
    %get3A_55 = arith.constant 0 : index
    %get3A_56 = arith.constant 0 : index
    %get3A_57 = vector.load %arg12[%get3A_55, %get3A_56] : memref<128x128xf32, #tpu.memory_space<vmem>>, vector<128x128xf32>
    %dot_general3A_58 = arith.constant dense<0.000000e+00> : vector<2000x128xf32>
    %dot_general3A_59 = tpu.matmul %get3A_4, %get3A_57, %dot_general3A_58 {dimension_numbers = #tpu.dot_dimension_numbers<[1], [0], [0], [1], [0, 0, 1, 1], [], []>, transpose_lhs_hint = false} : vector<2000x128xf32>, vector<128x128xf32>, vector<2000x128xf32> -> vector<2000x128xf32>
    %add3A_60 = arith.addf %dot_general3A_54, %dot_general3A_59 : vector<2000x128xf32>
    %get3A_61 = arith.constant 0 : index
    %get3A_62 = arith.constant 0 : index
    %get3A_63 = vector.load %arg13[%get3A_61, %get3A_62] : memref<128x128xf32, #tpu.memory_space<vmem>>, vector<128x128xf32>
    %dot_general3A_64 = arith.constant dense<0.000000e+00> : vector<2000x128xf32>
    %dot_general3A_65 = tpu.matmul %get3A_7, %get3A_63, %dot_general3A_64 {dimension_numbers = #tpu.dot_dimension_numbers<[1], [0], [0], [1], [0, 0, 1, 1], [], []>, transpose_lhs_hint = false} : vector<2000x128xf32>, vector<128x128xf32>, vector<2000x128xf32> -> vector<2000x128xf32>
    %add3A_66 = arith.addf %add3A_60, %dot_general3A_65 : vector<2000x128xf32>
    %get3A_67 = arith.constant 0 : index
    %get3A_68 = arith.constant 0 : index
    %get3A_69 = vector.load %arg14[%get3A_67, %get3A_68] : memref<1x128xf32, #tpu.memory_space<vmem>>, vector<1x128xf32>
    %add3A_70 = vector.broadcast %get3A_69 : vector<1x128xf32> to vector<2000x128xf32>
    %add3A_71 = arith.addf %add3A_66, %add3A_70 : vector<2000x128xf32>
    %ge3A = arith.constant 0.000000e+00 : f32
    %ge3A_72 = vector.broadcast %ge3A : f32 to vector<2000x128xf32>
    %ge3A_73 = arith.cmpf oge, %add3A_71, %ge3A_72 : vector<2000x128xf32>
    %mul3A_74 = arith.constant 0.00999999977 : f32
    %mul3A_75 = vector.broadcast %mul3A_74 : f32 to vector<2000x128xf32>
    %mul3A_76 = arith.mulf %mul3A_75, %add3A_71 : vector<2000x128xf32>
    %select_n3A = arith.select %ge3A_73, %add3A_71, %mul3A_76 : vector<2000x128xi1>, vector<2000x128xf32>
    %get3A_77 = arith.constant 0 : index
    %get3A_78 = arith.constant 0 : index
    %get3A_79 = vector.load %arg15[%get3A_77, %get3A_78] : memref<1x128xf32, #tpu.memory_space<vmem>>, vector<1x128xf32>
    %mul3A_80 = vector.broadcast %get3A_79 : vector<1x128xf32> to vector<2000x128xf32>
    %mul3A_81 = arith.mulf %select_n3A, %mul3A_80 : vector<2000x128xf32>
    %reduce_sum3A = arith.constant dense<0.000000e+00> : vector<2000xf32>
    %reduce_sum3A_82 = vector.multi_reduction <add>, %mul3A_81, %reduce_sum3A [1] : vector<2000x128xf32> to vector<2000xf32>
    %broadcast_in_dim3A = vector.shape_cast %reduce_sum3A_82 : vector<2000xf32> to vector<2000x1xf32>
    %logistic3A_83 = arith.negf %broadcast_in_dim3A : vector<2000x1xf32>
    %logistic3A_84 = math.exp %logistic3A_83 : vector<2000x1xf32>
    %logistic3A_85 = arith.constant 1.000000e+00 : f32
    %logistic3A_86 = vector.broadcast %logistic3A_85 : f32 to vector<2000x1xf32>
    %logistic3A_87 = arith.addf %logistic3A_86, %logistic3A_84 : vector<2000x1xf32>
    %logistic3A_88 = arith.divf %logistic3A_86, %logistic3A_87 : vector<2000x1xf32>
    %sub3A = arith.constant 1.000000e+00 : f32
    %sub3A_89 = vector.broadcast %sub3A : f32 to vector<2000x128xf32>
    %sub3A_90 = arith.subf %sub3A_89, %slice3A : vector<2000x128xf32>
    %mul3A_91 = arith.mulf %sub3A_90, %get3A_1 : vector<2000x128xf32>
    %mul3A_92 = arith.mulf %slice3A, %tanh3A : vector<2000x128xf32>
    %add3A_93 = arith.addf %mul3A_91, %mul3A_92 : vector<2000x128xf32>
    %mul3A_94 = vector.broadcast %logistic3A_88 : vector<2000x1xf32> to vector<2000x128xf32>
    %mul3A_95 = arith.mulf %mul3A_94, %add3A_93 : vector<2000x128xf32>
    %swap3A = arith.constant 0 : index
    %swap3A_96 = arith.constant 0 : index
    %swap3A_97 = vector.load %arg16[%swap3A, %swap3A_96] : memref<2000x128xf32, #tpu.memory_space<vmem>>, vector<2000x128xf32>
    tpu.vector_store %arg16[%swap3A, %swap3A_96], %mul3A_95 {strides = array<i32>} : memref<2000x128xf32, #tpu.memory_space<vmem>>, vector<2000x128xf32>,
    return
  }
  func.func @transform_0(%arg0: i32) -> (i32, i32) {
    %c0_i32 = arith.constant 0 : i32
    %c0_i32_0 = arith.constant 0 : i32
    return %arg0, %c0_i32 : i32, i32
  }
  func.func @transform_1(%arg0: i32) -> (i32, i32) {
    %c0_i32 = arith.constant 0 : i32
    %c0_i32_0 = arith.constant 0 : i32
    return %arg0, %c0_i32 : i32, i32
  }
  func.func @transform_2(%arg0: i32) -> (i32, i32) {
    %c0_i32 = arith.constant 0 : i32
    %c0_i32_0 = arith.constant 0 : i32
    return %arg0, %c0_i32 : i32, i32
  }
  func.func @transform_3(%arg0: i32) -> (i32, i32) {
    %c0_i32 = arith.constant 0 : i32
    %c0_i32_0 = arith.constant 0 : i32
    %c0_i32_1 = arith.constant 0 : i32
    return %c0_i32, %c0_i32_0 : i32, i32
  }
  func.func @transform_4(%arg0: i32) -> (i32, i32) {
    %c0_i32 = arith.constant 0 : i32
    %c0_i32_0 = arith.constant 0 : i32
    %c0_i32_1 = arith.constant 0 : i32
    return %c0_i32, %c0_i32_0 : i32, i32
  }
  func.func @transform_5(%arg0: i32) -> (i32, i32) {
    %c0_i32 = arith.constant 0 : i32
    %c0_i32_0 = arith.constant 0 : i32
    %c0_i32_1 = arith.constant 0 : i32
    return %c0_i32, %c0_i32_0 : i32, i32
  }
  func.func @transform_6(%arg0: i32) -> (i32, i32) {
    %c0_i32 = arith.constant 0 : i32
    %c0_i32_0 = arith.constant 0 : i32
    %c0_i32_1 = arith.constant 0 : i32
    return %c0_i32, %c0_i32_0 : i32, i32
  }
  func.func @transform_7(%arg0: i32) -> (i32, i32) {
    %c0_i32 = arith.constant 0 : i32
    %c0_i32_0 = arith.constant 0 : i32
    %c0_i32_1 = arith.constant 0 : i32
    return %c0_i32, %c0_i32_0 : i32, i32
  }
  func.func @transform_8(%arg0: i32) -> (i32, i32) {
    %c0_i32 = arith.constant 0 : i32
    %c0_i32_0 = arith.constant 0 : i32
    %c0_i32_1 = arith.constant 0 : i32
    return %c0_i32, %c0_i32_0 : i32, i32
  }
  func.func @transform_9(%arg0: i32) -> (i32, i32) {
    %c0_i32 = arith.constant 0 : i32
    %c0_i32_0 = arith.constant 0 : i32
    %c0_i32_1 = arith.constant 0 : i32
    return %c0_i32, %c0_i32_0 : i32, i32
  }
  func.func @transform_10(%arg0: i32) -> (i32, i32) {
    %c0_i32 = arith.constant 0 : i32
    %c0_i32_0 = arith.constant 0 : i32
    %c0_i32_1 = arith.constant 0 : i32
    return %c0_i32, %c0_i32_0 : i32, i32
  }
  func.func @transform_11(%arg0: i32) -> (i32, i32) {
    %c0_i32 = arith.constant 0 : i32
    %c0_i32_0 = arith.constant 0 : i32
    %c0_i32_1 = arith.constant 0 : i32
    return %c0_i32, %c0_i32_0 : i32, i32
  }
  func.func @transform_12(%arg0: i32) -> (i32, i32) {
    %c0_i32 = arith.constant 0 : i32
    %c0_i32_0 = arith.constant 0 : i32
    %c0_i32_1 = arith.constant 0 : i32
    return %c0_i32, %c0_i32_0 : i32, i32
  }
  func.func @transform_13(%arg0: i32) -> (i32, i32) {
    %c0_i32 = arith.constant 0 : i32
    %c0_i32_0 = arith.constant 0 : i32
    %c0_i32_1 = arith.constant 0 : i32
    return %c0_i32, %c0_i32_0 : i32, i32
  }
  func.func @transform_14(%arg0: i32) -> (i32, i32) {
    %c0_i32 = arith.constant 0 : i32
    %c0_i32_0 = arith.constant 0 : i32
    %c0_i32_1 = arith.constant 0 : i32
    return %c0_i32, %c0_i32_0 : i32, i32
  }
  func.func @transform_15(%arg0: i32) -> (i32, i32) {
    %c0_i32 = arith.constant 0 : i32
    %c0_i32_0 = arith.constant 0 : i32
    return %arg0, %c0_i32 : i32, i32
  }
}

module attributes {stable_mosaic.version = 14 : i64} {
  func.func @_final_body(%arg0: i32, %arg1: memref<2x1000x128xf32, #tpu.memory_space<vmem>>, %arg2: memref<2x1000x128xf32, #tpu.memory_space<vmem>>, %arg3: memref<128x128xf32, #tpu.memory_space<vmem>>, %arg4: memref<1000x128xf32, #tpu.memory_space<vmem>>) attributes {dimension_semantics = [#tpu.dimension_semantics<arbitrary>], iteration_bounds = array<i64: 10>, scalar_prefetch = 0 : i64, scratch_operands = 0 : i64, tpu.core_type = #tpu.core_type<tc>, window_params = [{transform_indices = @transform_0, window_bounds = array<i64: 2, 1000, 128>}, {transform_indices = @transform_1, window_bounds = array<i64: 2, 1000, 128>}, {pipeline_mode = #tpu.pipeline_mode<synchronous>, transform_indices = @transform_2, window_bounds = array<i64: 128, 128>}, {transform_indices = @transform_3, window_bounds = array<i64: 1000, 128>}]} {
    %get3A = arith.constant 0 : index
    %get3A_0 = arith.constant 0 : index
    %get3A_1 = arith.constant 0 : index
    %get3A_2 = vector.load %arg1[%get3A, %get3A_0, %get3A_1] : memref<2x1000x128xf32, #tpu.memory_space<vmem>>, vector<1x1000x128xf32>
    %get3A_3 = vector.shape_cast %get3A_2 : vector<1x1000x128xf32> to vector<1000x128xf32>
    %get3A_4 = arith.constant 1 : index
    %get3A_5 = arith.constant 0 : index
    %get3A_6 = arith.constant 0 : index
    %get3A_7 = vector.load %arg1[%get3A_4, %get3A_5, %get3A_6] : memref<2x1000x128xf32, #tpu.memory_space<vmem>>, vector<1x1000x128xf32>
    %get3A_8 = vector.shape_cast %get3A_7 : vector<1x1000x128xf32> to vector<1000x128xf32>
    %add3A = arith.addf %get3A_3, %get3A_8 : vector<1000x128xf32>
    %get3A_9 = arith.constant 0 : index
    %get3A_10 = arith.constant 0 : index
    %get3A_11 = arith.constant 0 : index
    %get3A_12 = vector.load %arg2[%get3A_9, %get3A_10, %get3A_11] : memref<2x1000x128xf32, #tpu.memory_space<vmem>>, vector<1x1000x1xf32>
    %get3A_13 = vector.shape_cast %get3A_12 : vector<1x1000x1xf32> to vector<1000x1xf32>
    %get3A_14 = arith.constant 1 : index
    %get3A_15 = arith.constant 0 : index
    %get3A_16 = arith.constant 0 : index
    %get3A_17 = vector.load %arg2[%get3A_14, %get3A_15, %get3A_16] : memref<2x1000x128xf32, #tpu.memory_space<vmem>>, vector<1x1000x1xf32>
    %get3A_18 = vector.shape_cast %get3A_17 : vector<1x1000x1xf32> to vector<1000x1xf32>
    %add3A_19 = arith.addf %get3A_13, %get3A_18 : vector<1000x1xf32>
    %add3A_20 = arith.constant 9.99999974E-5 : f32
    %add3A_21 = vector.broadcast %add3A_20 : f32 to vector<1000x1xf32>
    %add3A_22 = arith.addf %add3A_19, %add3A_21 : vector<1000x1xf32>
    %rsqrt3A = math.rsqrt %add3A_22 : vector<1000x1xf32>
    %mul3A = vector.broadcast %rsqrt3A : vector<1000x1xf32> to vector<1000x128xf32>
    %mul3A_23 = arith.mulf %add3A, %mul3A : vector<1000x128xf32>
    %get3A_24 = arith.constant 0 : index
    %get3A_25 = arith.constant 0 : index
    %get3A_26 = vector.load %arg3[%get3A_24, %get3A_25] : memref<128x128xf32, #tpu.memory_space<vmem>>, vector<128x128xf32>
    %dot_general3A = arith.constant dense<0.000000e+00> : vector<1000x128xf32>
    %dot_general3A_27 = tpu.matmul %mul3A_23, %get3A_26, %dot_general3A {dimension_numbers = #tpu.dot_dimension_numbers<[1], [0], [0], [1], [0, 0, 1, 1], [], []>, transpose_lhs_hint = false} : vector<1000x128xf32>, vector<128x128xf32>, vector<1000x128xf32> -> vector<1000x128xf32>
    %swap3A = arith.constant 0 : index
    %swap3A_28 = arith.constant 0 : index
    %swap3A_29 = vector.load %arg4[%swap3A, %swap3A_28] : memref<1000x128xf32, #tpu.memory_space<vmem>>, vector<1000x128xf32>
    tpu.vector_store %arg4[%swap3A, %swap3A_28], %dot_general3A_27 {strides = array<i32>} : memref<1000x128xf32, #tpu.memory_space<vmem>>, vector<1000x128xf32>,
    return
  }
  func.func @transform_0(%arg0: i32) -> (i32, i32, i32) {
    %c0_i32 = arith.constant 0 : i32
    %c0_i32_0 = arith.constant 0 : i32
    %c0_i32_1 = arith.constant 0 : i32
    return %c0_i32, %arg0, %c0_i32_0 : i32, i32, i32
  }
  func.func @transform_1(%arg0: i32) -> (i32, i32, i32) {
    %c0_i32 = arith.constant 0 : i32
    %c0_i32_0 = arith.constant 0 : i32
    %c0_i32_1 = arith.constant 0 : i32
    return %c0_i32, %arg0, %c0_i32_0 : i32, i32, i32
  }
  func.func @transform_2(%arg0: i32) -> (i32, i32) {
    %c0_i32 = arith.constant 0 : i32
    %c0_i32_0 = arith.constant 0 : i32
    %c0_i32_1 = arith.constant 0 : i32
    return %c0_i32, %c0_i32_0 : i32, i32
  }
  func.func @transform_3(%arg0: i32) -> (i32, i32) {
    %c0_i32 = arith.constant 0 : i32
    %c0_i32_0 = arith.constant 0 : i32
    return %arg0, %c0_i32 : i32, i32
  }
}

</mosaic_0001>

<sc_bundles>
// kernel: kernel.11.cloned.1.call-start
scs
__scs_entry_jumppad:
0x0: {  	(pc) =	sbr.rel $0x88, $3  }
0x1: {  	(tag) =	ssettag $0x0;
	lr =	simm.s32 $0x1  }
0x2: {  	[smem:$0x3F93] =	sst lr;
	_ =	strace $0xD0000000  }
0x3: {  	_ = 	snop  }
0x4: {  	_ = 	snop  }
0x5: {  	_ = 	snop  }
0x6: {  	_ = 	snop  }
0x7: {  	_ = 	snop  }
__scs_overlays_trampoline_lowered:
0x8: {  	[smem:$0x3FA2] =	sst s0  }
0x9: {  	[smem:$0x3FA3] =	sst s1  }
0xa: {  	[smem:$0x3FA4] =	sst s2  }
0xb: {  	[smem:$0x3FA5] =	sst s3  }
0xc: {  	[smem:$0x3FA6] =	sst s4  }
0xd: {  	[smem:$0x3FA7] =	sst s5  }
0xe: {  	[smem:$0x3FA8] =	sst s6  }
0xf: {  	[smem:$0x3FA9] =	sst s7  }
0x10: {  	[smem:$0x3FAA] =	sst s8  }
0x11: {  	[smem:$0x3FAB] =	sst s9;
	s0 =	simm.s32 @!p0 $0x0  }
0x12: {  	s1 =	sld [smem:$0x3F91];
	s0 =	simm.s32 @p0 $0x1  }
0x13: {  	[smem:$0x3FAC] =	sst s0;
	s0 =	simm.s32 @!p1 $0x0  }
0x14: {  	s2 =	sld [smem:$0x3F90];
	s0 =	simm.s32 @p1 $0x1  }
0x15: {  	[smem:$0x3FAD] =	sst s0;
	s0 =	simm.s32 @!p2 $0x0  }
0x16: {  	s3 =	sld [smem:$0x3FDB];
	s0 =	simm.s32 @p2 $0x1  }
0x17: {  	s4 =	simm.s32 $0x1BF5;
	[smem:$0x3FAF] =	sst s0  }
0x18: {  	s0 =	sld [smem:$0x3F92];
	_ =	swait.ge [sflag:s4], $0x0  }
0x19: {  	s7 =	sld [smem:$0x3F93]  }
0x1a: {  	s8 =	sadd.s32 $0xFFFFE003, lr  }
0x1b: {  	s9 =	sadd.s32 $0xFFFFFEF7, lr;
	s5 =	simm.s32 $0xFFFFFFFF;
	p2 =	slt.u32 s8, $0xFFFFF086  }
0x1c: {  	p1 =	slt.u32 s9, $0xF7A;
	s5 =	simm.s32 @!p2 $0x0  }
0x1d: {  	s5 =	simm.s32 @p1 $0x1;
	p0 =	seq.s32 s7, s2  }
0x1e: {  	s7 =	smul.u32 @!p0 $0xF7A, s2;
	p2 =	seq.s32 @!p0 s5, $0x0  }
0x1f: {  	s9 =	smul.u32 $0xF7A, s1;
	s8 =	simm.s32 @!p0 $0x1BF5;
	p2 =	por !p2, p0  }
0x20: {  	[sflag:s8] =	ssyncset.s32 @!p0 $0xFFFFF086;
	s6 =	sadd.s32 @!p0 s3, s7;
	s7 =	simm.s32 @!p0 $0x108  }
0x21: {  	s3 =	sadd.s32 s3, s9;
	s6 =	sadd.s32 @!p0 $0x88, s6;
	s7 =	simm.s32 @p2 $0x1082  }
0x22: {  	[simem:s7], [sflag:s8] =	dma.local @!p0 [hbm:s6], $0xF7A  }
0x23: {  	s9 =	sor.u32 $0xD0000000, s2;
	s6 =	simm.s32 $0x108;
	_ =	swait.ge @!p0 [sflag:s8], $0x0  }
0x24: {  	s3 =	sadd.s32 $0x88, s3;
	s6 =	simm.s32 @!p1 $0x1082;
	[sflag:s4] =	ssyncset.s32 $0xFFFFF086  }
0x25: {  	[simem:s6], [sflag:s4] =	dma.local [hbm:s3], $0xF7A  }
0x26: {  	[smem:$0x3F93] =	sst s1;
	(tag) =	ssettag s2;
	_ =	strace s9  }
0x27: {  	s1 =	sld [smem:$0x3FA3]  }
0x28: {  	s2 =	sld [smem:$0x3FA4]  }
0x29: {  	s4 =	sld [smem:$0x3FA6]  }
0x2a: {  	p0 =	seq.s32 s5, $0x0;
	s5 =	sld [smem:$0x3FA7]  }
0x2b: {  	s6 =	sld [smem:$0x3FA8]  }
0x2c: {  	s7 =	sld [smem:$0x3FA9]  }
0x2d: {  	s3 =	simm.s32 $0x108;
	s8 =	sld [smem:$0x3FAA]  }
0x2e: {  	s3 =	simm.s32 @!p0 $0x1082;
	s9 =	sld [smem:$0x3FAB]  }
0x2f: {  	lr =	sadd.s32 s0, s3;
	s0 =	sld [smem:$0x3FA2]  }
0x30: {  	s3 =	sld [smem:$0x3FA5]  }
0x31: {  	[smem:$0x3FAE] =	sst s10  }
0x32: {  	s10 =	sld [smem:$0x3FAC];
	_ =	sdelay $0x3  }
0x33: {  	p0 =	seq.s32 s10, $0x1;
	s10 =	sld [smem:$0x3FAE];
	_ =	sdelay $0x3  }
0x34: {  	[smem:$0x3FAE] =	sst s10  }
0x35: {  	s10 =	sld [smem:$0x3FAD];
	_ =	sdelay $0x3  }
0x36: {  	p1 =	seq.s32 s10, $0x1;
	s10 =	sld [smem:$0x3FAE];
	_ =	sdelay $0x3  }
0x37: {  	[smem:$0x3FAE] =	sst s10  }
0x38: {  	s10 =	sld [smem:$0x3FAF]  }
0x39: {  	_ = 	snop;
	(pc) =	sbr.ind lr, $3  }
0x3a: {  	_ = 	snop  }
0x3b: {  	_ = 	snop  }
0x3c: {  	p2 =	seq.s32 s10, $0x1;
	s10 =	sld [smem:$0x3FAE]  }
0x3d: {  	_ =	shalt  }
0x3e: {  	_ =	shalt  }
0x3f: {  	_ =	shalt  }
0x40: {  	_ =	shalt  }
0x41: {  	_ =	shalt  }
0x42: {  	_ =	shalt  }
0x43: {  	_ =	shalt  }
0x44: {  	_ =	shalt  }
0x45: {  	_ =	shalt  }
0x46: {  	_ =	shalt  }
0x47: {  	_ =	shalt  }
0x48: {  	_ =	shalt  }
0x49: {  	_ =	shalt  }
0x4a: {  	_ =	shalt  }
0x4b: {  	_ =	shalt  }
0x4c: {  	_ =	shalt  }
0x4d: {  	_ =	shalt  }
0x4e: {  	_ =	shalt  }
0x4f: {  	_ =	shalt  }
0x50: {  	_ =	shalt  }
0x51: {  	_ =	shalt  }
0x52: {  	_ =	shalt  }
0x53: {  	_ =	shalt  }
0x54: {  	_ =	shalt  }
0x55: {  	_ =	shalt  }
0x56: {  	_ =	shalt  }
0x57: {  	_ =	shalt  }
0x58: {  	_ =	shalt  }
0x59: {  	_ =	shalt  }
0x5a: {  	_ =	shalt  }
0x5b: {  	_ =	shalt  }
0x5c: {  	_ =	shalt  }
0x5d: {  	_ =	shalt  }
0x5e: {  	_ =	shalt  }
0x5f: {  	_ =	shalt  }
0x60: {  	_ =	shalt  }
0x61: {  	_ =	shalt  }
0x62: {  	_ =	shalt  }
0x63: {  	_ =	shalt  }
0x64: {  	_ =	shalt  }
0x65: {  	_ =	shalt  }
0x66: {  	_ =	shalt  }
0x67: {  	_ =	shalt  }
0x68: {  	_ =	shalt  }
0x69: {  	_ =	shalt  }
0x6a: {  	_ =	shalt  }
0x6b: {  	_ =	shalt  }
0x6c: {  	_ =	shalt  }
0x6d: {  	_ =	shalt  }
0x6e: {  	_ =	shalt  }
0x6f: {  	_ =	shalt  }
0x70: {  	_ =	shalt  }
0x71: {  	_ =	shalt  }
0x72: {  	_ =	shalt  }
0x73: {  	_ =	shalt  }
0x74: {  	_ =	shalt  }
0x75: {  	_ =	shalt  }
0x76: {  	_ =	shalt  }
0x77: {  	_ =	shalt  }
0x78: {  	_ =	shalt  }
0x79: {  	_ =	shalt  }
0x7a: {  	_ =	shalt  }
0x7b: {  	_ =	shalt  }
0x7c: {  	_ =	shalt  }
0x7d: {  	_ =	shalt  }
0x7e: {  	_ =	shalt  }
0x7f: {  	_ =	shalt  }
0x80: {  	_ =	shalt  }
0x81: {  	_ =	shalt  }
0x82: {  	_ =	shalt  }
0x83: {  	_ =	shalt  }
0x84: {  	_ =	shalt  }
0x85: {  	_ =	shalt  }
0x86: {  	_ =	shalt  }
0x87: {  	_ =	shalt  }
.Lfunc_end0:
.L_simem_size_0:
called_computation.1_lowered:
.L_overlay_start_0:
0x88: {  	s2 =	sld [smem:$0x3FD9]  }
0x89: {  	s3 =	sld [smem:$0x3FFE];
	_ =	sdelay $0x1  }
0x8a: {  	s1 =	srdreg.scid  }
0x8b: {  	s0 =	sand.u32 $0x1, s1  }
0x8c: {  	s17 =	sshll.u32 s0, $0xA;
	s2 =	sadd.s32 s3, s2  }
0x8d: {  	s2 =	sadd.s32 s2, s17  }
0x8e: {  	[smem:$0x3FBA] =	sst s2  }
0x8f: {  	_ = 	snop  }
0x90: {  	s2 =	sld [smem:$0x3FC8]  }
0x91: {  	s18 =	sld [smem:$0x3FC6];
	(tm) =	ssettm $0x1  }
0x92: {  	s4 =	sld [smem:$0x3FFB];
	_ =	sdelay $0x3  }
0x93: {  	_ =	strace s4  }
0x94: {  	s4 =	sld [smem:$0x3FFC];
	_ =	sdelay $0x3  }
0x95: {  	_ =	strace s4  }
0x96: {  	s4 =	sld [smem:$0x3FFD];
	_ =	sdelay $0x3  }
0x97: {  	_ =	strace s4  }
0x98: {  	_ =	strace $0x8FFFFFFF  }
0x99: {  	s19 =	sld [smem:$0x3FDB];
	_ =	sdelay $0x1  }
0x9a: {  	s5 =	simm.s32 $_scs_section_size  }
0x9b: {  	s6 =	simm.s32 $_size__tile_overlayer_lowered;
	s7 =	simm.s32 $_tile_overlayer_lowered  }
0x9c: {  	s22 =	simm.s32 $0x1BFF;
	s21 =	sshll.u32 s7, $0x1;
	s4 =	sadd.s32 s5, s19  }
0x9d: {  	s8 =	simm.s32 $0x0;
	s20 =	sshll.u32 s6, $0x1;
	s6 =	sadd.s32 s21, s4  }
0x9e: {  	[timem:s8], [sflag:s22] =	dma.local [hbm:s6], s20  }
0x9f: {  	_ =	swait.ge [sflag:s22], s20  }
0xa0: {  	s5 =	ssub.s32 $0x0, s20;
	[sflag:s22] =	ssyncset.done $0x0  }
0xa1: {  	[sflag:s22] =	ssyncadd.s32 s5;
	_ =	sdelay $0x1  }
0xa2: {  	s23 =	simm.s32 $0x1B8B  }
0xa3: {  	_ =	swait.ge [sflag:s23], $0x1  }
0xa4: {  	[sflag:s23] =	ssyncset.done $0x0  }
0xa5: {  	s25 =	simm.s32 $0x1B8E;
	s24 =	sld [smem:$0x3FFE];
	[sflag:s23] =	ssyncadd.s32 $0xFFFFFFFF  }
0xa6: {  	s26 =	simm.s32 $execute0_lowered;
	[smem:$0x3FD2] =	sst s25  }
0xa7: {  	s6 =	sshll.u32 s26, $0x1;
	_ =	strace $0x80000049;
	[dreg:$0x1] =	wrdreg $0xFFFFFFFF  }
0xa8: {  	s28 =	simm.s32 $_size_execute0_lowered;
	s4 =	sadd.s32 s4, s6;
	[dreg:$0x0] =	wrdreg $0x0  }
0xa9: {  	s6 =	sshll.u32 s28, $0x1;
	[dreg:$0x2] =	wrdreg s4  }
0xaa: {  	[dreg:$0x3] =	wrdreg s6  }
0xab: {  	[dreg:$0x4] =	wrdreg $0xC0  }
0xac: {  	_ =	task [dreg:s8], $0x5FFFF  }
0xad: {  	[dreg:$0x1] =	wrdreg $0xFFFFFFFF  }
0xae: {  	[dreg:$0x0] =	wrdreg $0x60  }
0xaf: {  	[dreg:$0x2] =	wrdreg s24  }
0xb0: {  	[dreg:$0x3] =	wrdreg s2  }
0xb1: {  	[dreg:$0x4] =	wrdreg s18  }
0xb2: {  	[dreg:$0x5] =	wrdreg $0xA  }
0xb3: {  	_ =	task.clear_ibuf [dreg:s8], $0x6FFFF;
	_ =	strace $0x90000049  }
0xb4: {  	s29 =	simm.s32 $0xA;
	_ =	strace $0x8000004B  }
0xb5: {  	_ =	swait.ge [sflag:s29], $0x1  }
0xb6: {  	[sflag:s29] =	ssyncadd.s32 $0xFFFFFFFF  }
0xb7: {  	_ =	strace $0x9000004B  }
0xb8: {  	_ =	sfence  }
0xb9: {  	s30 =	sld [smem:$0x0];
	_ =	sdelay $0x2  }
0xba: {  	s31 =	sshll.u32 s1, $0xD;
	s1 =	sshrl.u32 s1, $0x2  }
0xbb: {  	s3 =	sand.u32 $0x4000, s31;
	s1 =	sadd.s32 s1, s30  }
0xbc: {  	s0 =	sor.u32 s3, s0;
	s1 =	sshll.u32 s1, $0x11  }
0xbd: {  	s0 =	sor.u32 s1, s0  }
0xbe: {  	s0 =	sadd.s32 $0x8F2B, s0  }
0xbf: {  	[sflag:s0] =	ssyncadd.remote.s32 $0x1  }
0xc0: {  	_ =	sfence.sel $0xFFFF  }
0xc1: {  	[dreg:$0x0] =	wrdreg $0xFFFFFFFF;
	(pc) =	sbr.abs _section_cstart, $3  }
0xc2: {  	[dreg:$0x1] =	wrdreg $0xFFFFFFFF  }
0xc3: {  	_ =	task.clear_ibuf [dreg:s8], $0x2FFFF;
	_ =	strace $0x9FFFFFFF  }
0xc4: {  	(tm) =	ssettm $0x7FFFFFFF  }
0xc5: {  	_ =	shalt  }
tec
execute0_lowered:
.L_overlay_start_1:
0x0: {  	(tag) =	ssettag $0x1  }
0x1: {  	s1 =	srdreg.scid;
	s0 =	stileid.u32  }
0x2: {  	s7 =	sand.u32 $0x1, s1;
	s31 =	sshll.u32 s0, $0x1  }
0x3: {  	s1 =	sor.u32 s7, s31  }
0x4: {  	s5 =	smul.u32 $0x9C4, s1;
	_ =	sdelay $0x1  }
0x5: {  	s8 =	sadd.s32 $0x9C4, s5  }
0x6: {  	s11 =	sshrl.u32 s5, $0x5;
	s8 =	sshrl.u32 s8, $0x5  }
0x7: {  	p0 =	sle.u32 s8, s11  }
.Ltmp0:
0x8: {  	s6 =	rddreg [dreg:$0x0];
	(pc) =	sbr.rel @p0 .LBB2_5-.Ltmp0, $4  }
0x9: {  	s2 =	rddreg [dreg:$0x1]  }
0xa: {  	s3 =	rddreg [dreg:$0x2];
	s4 =	simm.s32 $0x0  }
0xb: {  	[smem:$0x7FF] =	sst s4  }
0xc: {  	s1 =	rddreg [dreg:$0x3];
	_ =	strace $0x8000004A  }
0xd: {  	s13 =	sadd.s32 $0x3DA00, s6;
	s12 =	sadd.s32 $0x33C00, s6  }
0xe: {  	s14 =	sadd.s32 $0x29E00, s6;
	s5 =	sadd.s32 $0x1E00, s6;
	s10 =	sadd.s32 $0x51600, s6  }
0xf: {  	s7 =	ssub.s32 $0x2, s7;
	s9 =	sadd.s32 $0x533600, s6;
	s16 =	sadd.s32 $0xA15600, s6  }
0x10: {  	s30 =	sshll.u32 s11, $0xB;
	s31 =	sshll.u32 s11, $0x4;
	s17 =	simm.s32 $0x180  }
0x11: {  	s18 =	simm.s32 $0x4180;
	s19 =	simm.s32 $0x8180;
	s20 =	simm.s32 $0x1  }
0x12: {  	s21 =	simm.s32 $0x3;
	s22 =	simm.s32 $0x0;
	s15 =	sshrl.u32 s7, $0x1  }
0x13: {  	s9 =	sadd.s32 s30, s9;
	s10 =	sadd.s32 s30, s10;
	s12 =	sadd.s32 s31, s12  }
0x14: {  	s13 =	sadd.s32 s31, s13;
	s29 =	ssub.s32 s7, s15;
	s7 =	ssub.s32 s8, s11  }
0x15: {  	s8 =	sadd.s32 s30, s16;
	s11 =	sadd.s32 s31, s14;
	s14 =	simm.s32 $0x80  }
0x16: {  	s15 =	simm.s32 $0x100;
	s16 =	simm.s32 $0x2;
	s6 =	smax.u32 s29, $0x1  }
.LBB2_2:
0x17: {  	[tilespmem:s4], [sflag:$0x2] =	stream.linear.gather [hbm4b:s13+s4], $0x80, $0x38;
	[tilespmem:$0xC180] =	vst v63  }
0x18: {  	_ = 	snop  }
0x19: {  	[tilespmem:s14], [sflag:$0x2] =	stream.linear.gather [hbm4b:s12+s4], $0x80, $0x38;
	[tilespmem:$0xC180] =	vst v63  }
0x1a: {  	_ = 	snop  }
0x1b: {  	[tilespmem:s15], [sflag:$0x2] =	stream.linear.gather [hbm4b:s11+s4], $0x80, $0x38;
	[tilespmem:$0xC180] =	vst v63  }
0x1c: {  	_ =	swait.ge [sflag:s16], $0x80  }
0x1d: {  	[sflag:s16] =	ssyncset.done $0x0  }
0x1e: {  	[sflag:s16] =	ssyncadd.s32 $0xFFFFFF80  }
0x1f: {  	_ =	swait.ge [sflag:s16], $0x80  }
0x20: {  	[sflag:s16] =	ssyncset.done $0x0  }
0x21: {  	[sflag:s16] =	ssyncadd.s32 $0xFFFFFF80  }
0x22: {  	_ =	swait.ge [sflag:s16], $0x80  }
0x23: {  	[sflag:s16] =	ssyncset.done $0x0  }
0x24: {  	[sflag:s16] =	ssyncadd.s32 $0xFFFFFF80  }
0x25: {  	[tilespmem:s17], [sflag:$0x1] =	stream.indirect.gather [hbm4b:s2+s14], $0x80, s4, s14, $0xb8;
	[tilespmem:$0xC180] =	vst v63  }
0x26: {  	_ = 	snop  }
0x27: {  	[tilespmem:s18], [sflag:$0x1] =	stream.indirect.gather [hbm4b:s3+s14], $0x80, s14, s14, $0xb8;
	[tilespmem:$0xC180] =	vst v63  }
0x28: {  	_ = 	snop  }
0x29: {  	[tilespmem:s19], [sflag:$0x1] =	stream.indirect.gather [hbm4b:s5+s14], $0x80, s15, s14, $0xb8;
	[tilespmem:$0xC180] =	vst v63  }
0x2a: {  	_ =	swait.ge [sflag:s20], $0x4000  }
0x2b: {  	[sflag:s20] =	ssyncset.done $0x0  }
0x2c: {  	[sflag:s20] =	ssyncadd.s32 $0xFFFFC000  }
0x2d: {  	[hbm4b:s10+s4] =	stream.linear.scatter [tilespmem:s17], [sflag:$0x3], $0x4000, $0x38;
	[tilespmem:$0xC180] =	vst v63  }
0x2e: {  	_ =	swait.ge [sflag:s21], $0x4000  }
0x2f: {  	[sflag:s21] =	ssyncset.done $0x0  }
0x30: {  	[sflag:s21] =	ssyncadd.s32 $0xFFFFC000  }
0x31: {  	_ =	swait.ge [sflag:s20], $0x4000  }
0x32: {  	[sflag:s20] =	ssyncset.done $0x0  }
0x33: {  	[sflag:s20] =	ssyncadd.s32 $0xFFFFC000  }
0x34: {  	[hbm4b:s9+s4] =	stream.linear.scatter [tilespmem:s18], [sflag:$0x3], $0x4000, $0x38;
	[tilespmem:$0xC180] =	vst v63  }
0x35: {  	_ =	swait.ge [sflag:s21], $0x4000  }
0x36: {  	[sflag:s21] =	ssyncset.done $0x0  }
0x37: {  	[sflag:s21] =	ssyncadd.s32 $0xFFFFC000  }
0x38: {  	p0 =	sne.s32 s7, $0x1;
	_ =	swait.ge [sflag:s20], $0x4000  }
.Ltmp1:
0x39: {  	s23 =	sadd.s32 $0xFFFFFFFF, s7;
	[sflag:s20] =	ssyncset.done $0x0;
	(pc) =	sbr.rel @!p0 .LBB2_4-.Ltmp1, $4  }
0x3a: {  	s24 =	sadd.s32 $0x10, s12;
	s25 =	sadd.s32 $0x10, s13;
	[sflag:s20] =	ssyncadd.s32 $0xFFFFC000  }
0x3b: {  	[hbm4b:s8+s4] =	stream.linear.scatter [tilespmem:s19], [sflag:$0x3], $0x4000, $0x38;
	[tilespmem:$0xC180] =	vst v63  }
0x3c: {  	s26 =	sadd.s32 $0x800, s10;
	s28 =	sadd.s32 $0x10, s11;
	_ =	swait.ge [sflag:s21], $0x4000  }
0x3d: {  	s29 =	smov.u32 s8;
	s30 =	smov.u32 s9;
	[sflag:s21] =	ssyncset.done $0x0  }
.LBB2_3:
0x3e: {  	[sflag:s21] =	ssyncadd.s32 $0xFFFFC000;
	s29 =	sadd.s32 $0x800, s29;
	s30 =	sadd.s32 $0x800, s30  }
0x3f: {  	[tilespmem:s4], [sflag:$0x2] =	stream.linear.gather [hbm4b:s25+s4], $0x80, $0x38;
	[tilespmem:$0xC180] =	vst v63  }
0x40: {  	p0 =	sne.s32 s23, $0x1;
	s23 =	sadd.s32 $0xFFFFFFFF, s23  }
0x41: {  	[tilespmem:s14], [sflag:$0x2] =	stream.linear.gather [hbm4b:s24+s4], $0x80, $0x38;
	[tilespmem:$0xC180] =	vst v63  }
0x42: {  	_ = 	snop  }
0x43: {  	[tilespmem:s15], [sflag:$0x2] =	stream.linear.gather [hbm4b:s28+s4], $0x80, $0x38;
	[tilespmem:$0xC180] =	vst v63  }
0x44: {  	_ =	swait.ge [sflag:s16], $0x80  }
0x45: {  	[sflag:s16] =	ssyncset.done $0x0  }
0x46: {  	[sflag:s16] =	ssyncadd.s32 $0xFFFFFF80  }
0x47: {  	_ =	swait.ge [sflag:s16], $0x80  }
0x48: {  	[sflag:s16] =	ssyncset.done $0x0  }
0x49: {  	[sflag:s16] =	ssyncadd.s32 $0xFFFFFF80  }
0x4a: {  	_ =	swait.ge [sflag:s16], $0x80  }
0x4b: {  	[sflag:s16] =	ssyncset.done $0x0  }
0x4c: {  	[sflag:s16] =	ssyncadd.s32 $0xFFFFFF80  }
0x4d: {  	[tilespmem:s17], [sflag:$0x1] =	stream.indirect.gather [hbm4b:s2+s14], $0x80, s4, s14, $0xb8;
	[tilespmem:$0xC180] =	vst v63  }
0x4e: {  	_ = 	snop  }
0x4f: {  	[tilespmem:s18], [sflag:$0x1] =	stream.indirect.gather [hbm4b:s3+s14], $0x80, s14, s14, $0xb8;
	[tilespmem:$0xC180] =	vst v63  }
0x50: {  	_ = 	snop  }
0x51: {  	[tilespmem:s19], [sflag:$0x1] =	stream.indirect.gather [hbm4b:s5+s14], $0x80, s15, s14, $0xb8;
	[tilespmem:$0xC180] =	vst v63  }
0x52: {  	_ =	swait.ge [sflag:s20], $0x4000  }
0x53: {  	[sflag:s20] =	ssyncset.done $0x0  }
0x54: {  	[sflag:s20] =	ssyncadd.s32 $0xFFFFC000  }
0x55: {  	[hbm4b:s26+s4] =	stream.linear.scatter [tilespmem:s17], [sflag:$0x3], $0x4000, $0x38;
	[tilespmem:$0xC180] =	vst v63  }
0x56: {  	_ =	swait.ge [sflag:s21], $0x4000  }
0x57: {  	[sflag:s21] =	ssyncset.done $0x0  }
0x58: {  	[sflag:s21] =	ssyncadd.s32 $0xFFFFC000  }
0x59: {  	_ =	swait.ge [sflag:s20], $0x4000  }
0x5a: {  	[sflag:s20] =	ssyncset.done $0x0  }
0x5b: {  	[sflag:s20] =	ssyncadd.s32 $0xFFFFC000  }
0x5c: {  	[hbm4b:s30+s4] =	stream.linear.scatter [tilespmem:s18], [sflag:$0x3], $0x4000, $0x38;
	[tilespmem:$0xC180] =	vst v63  }
0x5d: {  	_ =	swait.ge [sflag:s21], $0x4000  }
0x5e: {  	[sflag:s21] =	ssyncset.done $0x0  }
0x5f: {  	[sflag:s21] =	ssyncadd.s32 $0xFFFFC000  }
0x60: {  	_ =	swait.ge [sflag:s20], $0x4000  }
.Ltmp2:
0x61: {  	[sflag:s20] =	ssyncset.done $0x0;
	(pc) =	sbr.rel @p0 .LBB2_3-.Ltmp2, $4  }
0x62: {  	[sflag:s20] =	ssyncadd.s32 $0xFFFFC000  }
0x63: {  	[hbm4b:s29+s4] =	stream.linear.scatter [tilespmem:s19], [sflag:$0x3], $0x4000, $0x38;
	[tilespmem:$0xC180] =	vst v63  }
0x64: {  	s25 =	sadd.s32 $0x10, s25;
	s24 =	sadd.s32 $0x10, s24;
	_ =	swait.ge [sflag:s21], $0x4000  }
0x65: {  	s28 =	sadd.s32 $0x10, s28;
	s26 =	sadd.s32 $0x800, s26;
	[sflag:s21] =	ssyncset.done $0x0  }
.LBB2_4:
0x66: {  	s22 =	sadd.s32 $0x1, s22  }
0x67: {  	p0 =	sne.s32 s22, s6  }
.Ltmp3:
0x68: {  	_ = 	snop;
	(pc) =	sbr.rel @p0 .LBB2_2-.Ltmp3, $2  }
0x69: {  	_ =	sdelay $0x2  }
0x6a: {  	[sflag:s21] =	ssyncadd.s32 $0xFFFFC000  }
.LBB2_5:
0x6b: {  	_ =	sfence.sel $0x180000  }
0x6c: {  	[bflag:$0x0] =	sbarrier.arrive $0xFFFF  }
0x6d: {  	p0 =	sne.s32 s0, $0x0;
	_ =	strace $0x9000004A  }
0x6e: {  	s0 =	sadd.s32 @!p0 $0x100000, s1;
	[bflag:$0x2] =	sbarrier.arrive $0xFFFF  }
0x6f: {  	[sflag:s0] =	ssyncadd.tile.s32 @!p0 $0x1;
	_ =	shalt  }
.Lfunc_end2:
_tile_overlayer_lowered:
.L_overlay_start_2:
0x70: {  	(tag) =	ssettag $0x2  }
0x71: {  	s0 =	rddreg [dreg:$0x0];
	s2 =	stileid.u32  }
0x72: {  	s1 =	rddreg [dreg:$0x1];
	p0 =	sne.s32 s2, $0x0  }
0x73: {  	s3 =	rddreg [dreg:$0x2];
	[bflag:$0x3] =	sbarrier.arrive $0xFFFF;
	s2 =	simm.s32 @!p0 $0x1C03  }
0x74: {  	[timem:s3], [sflag:s2] =	dma.local @!p0 [hbm:s0], s1  }
0x75: {  	s0 =	simm.s32 @!p0 $0x3  }
0x76: {  	_ =	swait.ge @!p0 [sflag:s0], s1  }
0x77: {  	s1 =	ssub.s32 @!p0 $0x0, s1;
	[sflag:s0] =	ssyncset.done @!p0 $0x0  }
0x78: {  	[sflag:s0] =	ssyncadd.s32 @!p0 s1  }
0x79: {  	[bflag:$0x3] =	sbarrier.arrive $0xFFFF  }
0x7a: {  	_ =	shalt  }

// kernel: kernel.14.cloned.1.call-start
scs
__scs_entry_jumppad:
0x0: {  	(pc) =	sbr.rel $0x88, $3  }
0x1: {  	(tag) =	ssettag $0x0;
	lr =	simm.s32 $0x1  }
0x2: {  	[smem:$0x3F93] =	sst lr;
	_ =	strace $0xD0000000  }
0x3: {  	_ = 	snop  }
0x4: {  	_ = 	snop  }
0x5: {  	_ = 	snop  }
0x6: {  	_ = 	snop  }
0x7: {  	_ = 	snop  }
__scs_overlays_trampoline_lowered:
0x8: {  	[smem:$0x3FA2] =	sst s0  }
0x9: {  	[smem:$0x3FA3] =	sst s1  }
0xa: {  	[smem:$0x3FA4] =	sst s2  }
0xb: {  	[smem:$0x3FA5] =	sst s3  }
0xc: {  	[smem:$0x3FA6] =	sst s4  }
0xd: {  	[smem:$0x3FA7] =	sst s5  }
0xe: {  	[smem:$0x3FA8] =	sst s6  }
0xf: {  	[smem:$0x3FA9] =	sst s7  }
0x10: {  	[smem:$0x3FAA] =	sst s8  }
0x11: {  	[smem:$0x3FAB] =	sst s9;
	s0 =	simm.s32 @!p0 $0x0  }
0x12: {  	s1 =	sld [smem:$0x3F91];
	s0 =	simm.s32 @p0 $0x1  }
0x13: {  	[smem:$0x3FAC] =	sst s0;
	s0 =	simm.s32 @!p1 $0x0  }
0x14: {  	s2 =	sld [smem:$0x3F90];
	s0 =	simm.s32 @p1 $0x1  }
0x15: {  	[smem:$0x3FAD] =	sst s0;
	s0 =	simm.s32 @!p2 $0x0  }
0x16: {  	s3 =	sld [smem:$0x3FDB];
	s0 =	simm.s32 @p2 $0x1  }
0x17: {  	s4 =	simm.s32 $0x1BF5;
	[smem:$0x3FAF] =	sst s0  }
0x18: {  	s0 =	sld [smem:$0x3F92];
	_ =	swait.ge [sflag:s4], $0x0  }
0x19: {  	s7 =	sld [smem:$0x3F93]  }
0x1a: {  	s8 =	sadd.s32 $0xFFFFE003, lr  }
0x1b: {  	s9 =	sadd.s32 $0xFFFFFEF7, lr;
	s5 =	simm.s32 $0xFFFFFFFF;
	p2 =	slt.u32 s8, $0xFFFFF086  }
0x1c: {  	p1 =	slt.u32 s9, $0xF7A;
	s5 =	simm.s32 @!p2 $0x0  }
0x1d: {  	s5 =	simm.s32 @p1 $0x1;
	p0 =	seq.s32 s7, s2  }
0x1e: {  	s7 =	smul.u32 @!p0 $0xF7A, s2;
	p2 =	seq.s32 @!p0 s5, $0x0  }
0x1f: {  	s9 =	smul.u32 $0xF7A, s1;
	s8 =	simm.s32 @!p0 $0x1BF5;
	p2 =	por !p2, p0  }
0x20: {  	[sflag:s8] =	ssyncset.s32 @!p0 $0xFFFFF086;
	s6 =	sadd.s32 @!p0 s3, s7;
	s7 =	simm.s32 @!p0 $0x108  }
0x21: {  	s3 =	sadd.s32 s3, s9;
	s6 =	sadd.s32 @!p0 $0x88, s6;
	s7 =	simm.s32 @p2 $0x1082  }
0x22: {  	[simem:s7], [sflag:s8] =	dma.local @!p0 [hbm:s6], $0xF7A  }
0x23: {  	s9 =	sor.u32 $0xD0000000, s2;
	s6 =	simm.s32 $0x108;
	_ =	swait.ge @!p0 [sflag:s8], $0x0  }
0x24: {  	s3 =	sadd.s32 $0x88, s3;
	s6 =	simm.s32 @!p1 $0x1082;
	[sflag:s4] =	ssyncset.s32 $0xFFFFF086  }
0x25: {  	[simem:s6], [sflag:s4] =	dma.local [hbm:s3], $0xF7A  }
0x26: {  	[smem:$0x3F93] =	sst s1;
	(tag) =	ssettag s2;
	_ =	strace s9  }
0x27: {  	s1 =	sld [smem:$0x3FA3]  }
0x28: {  	s2 =	sld [smem:$0x3FA4]  }
0x29: {  	s4 =	sld [smem:$0x3FA6]  }
0x2a: {  	p0 =	seq.s32 s5, $0x0;
	s5 =	sld [smem:$0x3FA7]  }
0x2b: {  	s6 =	sld [smem:$0x3FA8]  }
0x2c: {  	s7 =	sld [smem:$0x3FA9]  }
0x2d: {  	s3 =	simm.s32 $0x108;
	s8 =	sld [smem:$0x3FAA]  }
0x2e: {  	s3 =	simm.s32 @!p0 $0x1082;
	s9 =	sld [smem:$0x3FAB]  }
0x2f: {  	lr =	sadd.s32 s0, s3;
	s0 =	sld [smem:$0x3FA2]  }
0x30: {  	s3 =	sld [smem:$0x3FA5]  }
0x31: {  	[smem:$0x3FAE] =	sst s10  }
0x32: {  	s10 =	sld [smem:$0x3FAC];
	_ =	sdelay $0x3  }
0x33: {  	p0 =	seq.s32 s10, $0x1;
	s10 =	sld [smem:$0x3FAE];
	_ =	sdelay $0x3  }
0x34: {  	[smem:$0x3FAE] =	sst s10  }
0x35: {  	s10 =	sld [smem:$0x3FAD];
	_ =	sdelay $0x3  }
0x36: {  	p1 =	seq.s32 s10, $0x1;
	s10 =	sld [smem:$0x3FAE];
	_ =	sdelay $0x3  }
0x37: {  	[smem:$0x3FAE] =	sst s10  }
0x38: {  	s10 =	sld [smem:$0x3FAF]  }
0x39: {  	_ = 	snop;
	(pc) =	sbr.ind lr, $3  }
0x3a: {  	_ = 	snop  }
0x3b: {  	_ = 	snop  }
0x3c: {  	p2 =	seq.s32 s10, $0x1;
	s10 =	sld [smem:$0x3FAE]  }
0x3d: {  	_ =	shalt  }
0x3e: {  	_ =	shalt  }
0x3f: {  	_ =	shalt  }
0x40: {  	_ =	shalt  }
0x41: {  	_ =	shalt  }
0x42: {  	_ =	shalt  }
0x43: {  	_ =	shalt  }
0x44: {  	_ =	shalt  }
0x45: {  	_ =	shalt  }
0x46: {  	_ =	shalt  }
0x47: {  	_ =	shalt  }
0x48: {  	_ =	shalt  }
0x49: {  	_ =	shalt  }
0x4a: {  	_ =	shalt  }
0x4b: {  	_ =	shalt  }
0x4c: {  	_ =	shalt  }
0x4d: {  	_ =	shalt  }
0x4e: {  	_ =	shalt  }
0x4f: {  	_ =	shalt  }
0x50: {  	_ =	shalt  }
0x51: {  	_ =	shalt  }
0x52: {  	_ =	shalt  }
0x53: {  	_ =	shalt  }
0x54: {  	_ =	shalt  }
0x55: {  	_ =	shalt  }
0x56: {  	_ =	shalt  }
0x57: {  	_ =	shalt  }
0x58: {  	_ =	shalt  }
0x59: {  	_ =	shalt  }
0x5a: {  	_ =	shalt  }
0x5b: {  	_ =	shalt  }
0x5c: {  	_ =	shalt  }
0x5d: {  	_ =	shalt  }
0x5e: {  	_ =	shalt  }
0x5f: {  	_ =	shalt  }
0x60: {  	_ =	shalt  }
0x61: {  	_ =	shalt  }
0x62: {  	_ =	shalt  }
0x63: {  	_ =	shalt  }
0x64: {  	_ =	shalt  }
0x65: {  	_ =	shalt  }
0x66: {  	_ =	shalt  }
0x67: {  	_ =	shalt  }
0x68: {  	_ =	shalt  }
0x69: {  	_ =	shalt  }
0x6a: {  	_ =	shalt  }
0x6b: {  	_ =	shalt  }
0x6c: {  	_ =	shalt  }
0x6d: {  	_ =	shalt  }
0x6e: {  	_ =	shalt  }
0x6f: {  	_ =	shalt  }
0x70: {  	_ =	shalt  }
0x71: {  	_ =	shalt  }
0x72: {  	_ =	shalt  }
0x73: {  	_ =	shalt  }
0x74: {  	_ =	shalt  }
0x75: {  	_ =	shalt  }
0x76: {  	_ =	shalt  }
0x77: {  	_ =	shalt  }
0x78: {  	_ =	shalt  }
0x79: {  	_ =	shalt  }
0x7a: {  	_ =	shalt  }
0x7b: {  	_ =	shalt  }
0x7c: {  	_ =	shalt  }
0x7d: {  	_ =	shalt  }
0x7e: {  	_ =	shalt  }
0x7f: {  	_ =	shalt  }
0x80: {  	_ =	shalt  }
0x81: {  	_ =	shalt  }
0x82: {  	_ =	shalt  }
0x83: {  	_ =	shalt  }
0x84: {  	_ =	shalt  }
0x85: {  	_ =	shalt  }
0x86: {  	_ =	shalt  }
0x87: {  	_ =	shalt  }
.Lfunc_end0:
.L_simem_size_0:
called_computation.2_lowered:
.L_overlay_start_0:
0x88: {  	s2 =	sld [smem:$0x3FD9]  }
0x89: {  	s3 =	sld [smem:$0x3FFE];
	_ =	sdelay $0x1  }
0x8a: {  	s1 =	srdreg.scid  }
0x8b: {  	s0 =	sand.u32 $0x1, s1  }
0x8c: {  	s17 =	sshll.u32 s0, $0xA;
	s2 =	sadd.s32 s3, s2  }
0x8d: {  	s2 =	sadd.s32 s2, s17  }
0x8e: {  	[smem:$0x3FBA] =	sst s2  }
0x8f: {  	_ = 	snop  }
0x90: {  	s18 =	sld [smem:$0x3FD0];
	(tm) =	ssettm $0x1  }
0x91: {  	s19 =	sld [smem:$0x3FFB];
	_ =	sdelay $0x3  }
0x92: {  	_ =	strace s19  }
0x93: {  	s2 =	sld [smem:$0x3FFC];
	_ =	sdelay $0x3  }
0x94: {  	_ =	strace s2  }
0x95: {  	s2 =	sld [smem:$0x3FFD];
	_ =	sdelay $0x3  }
0x96: {  	_ =	strace s2  }
0x97: {  	_ =	strace $0x8FFFFFFF  }
0x98: {  	s20 =	sld [smem:$0x3FDB];
	_ =	sdelay $0x1  }
0x99: {  	s4 =	simm.s32 $_scs_section_size  }
0x9a: {  	s5 =	simm.s32 $_size__tile_overlayer_lowered;
	s6 =	simm.s32 $_tile_overlayer_lowered  }
0x9b: {  	s7 =	simm.s32 $0x1BFF;
	s21 =	sshll.u32 s6, $0x1;
	s4 =	sadd.s32 s4, s20  }
0x9c: {  	s22 =	simm.s32 $0x0;
	s5 =	sshll.u32 s5, $0x1;
	s6 =	sadd.s32 s21, s4  }
0x9d: {  	[timem:s22], [sflag:s7] =	dma.local [hbm:s6], s5  }
0x9e: {  	_ =	swait.ge [sflag:s7], s5  }
0x9f: {  	s5 =	ssub.s32 $0x0, s5;
	[sflag:s7] =	ssyncset.done $0x0  }
0xa0: {  	[sflag:s7] =	ssyncadd.s32 s5;
	_ =	sdelay $0x1  }
0xa1: {  	s23 =	simm.s32 $0x1B8B  }
0xa2: {  	_ =	swait.ge [sflag:s23], $0x1  }
0xa3: {  	[sflag:s23] =	ssyncset.done $0x0  }
0xa4: {  	[sflag:s23] =	ssyncadd.s32 $0xFFFFFFFF  }
0xa5: {  	s5 =	sld [smem:$0x0]  }
0xa6: {  	s6 =	sand.u32 $0xFFFFFFFE, s1  }
0xa7: {  	p0 =	sne.s32 s1, s6  }
0xa8: {  	s6 =	sshll.u32 @p0 s6, $0xE  }
0xa9: {  	s6 =	sadd.s32 @p0 $0x11B8D, s6;
	s7 =	sshll.u32 @p0 s5, $0x11  }
0xaa: {  	s6 =	sor.u32 @p0 s7, s6  }
0xab: {  	[sflag:s6] =	ssyncadd.remote.s32 @p0 $0x1;
	_ =	sdelay $0x1  }
0xac: {  	s6 =	simm.s32 @p0 $0x1B8D  }
0xad: {  	_ =	swait.eq @p0 [sflag:s6], $0x1  }
0xae: {  	[sflag:s6] =	ssyncadd.s32 @p0 $0xFFFFFFFF  }
0xaf: {  	s7 =	sshll.u32 @!p0 s1, $0xE  }
0xb0: {  	s7 =	sor.u32 @!p0 $0x4000, s7;
	s6 =	simm.s32 @!p0 $0x1B8D  }
0xb1: {  	s5 =	sshll.u32 @!p0 s5, $0x11;
	s7 =	sadd.s32 @!p0 $0x11B8D, s7;
	_ =	swait.eq @!p0 [sflag:s6], $0x1  }
0xb2: {  	s5 =	sor.u32 @!p0 s5, s7;
	[sflag:s6] =	ssyncadd.s32 @!p0 $0xFFFFFFFF  }
0xb3: {  	s25 =	simm.s32 $0x1B8E;
	s24 =	sld [smem:$0x3FFE];
	[sflag:s5] =	ssyncadd.remote.s32 @!p0 $0x1  }
0xb4: {  	s26 =	simm.s32 $execute0_lowered;
	[smem:$0x3FD2] =	sst s25  }
0xb5: {  	s6 =	sshll.u32 s26, $0x1;
	_ =	strace $0x8000004F;
	[dreg:$0x1] =	wrdreg $0xFFFFFFFF  }
0xb6: {  	s28 =	simm.s32 $_size_execute0_lowered;
	s4 =	sadd.s32 s4, s6;
	[dreg:$0x0] =	wrdreg $0x0  }
0xb7: {  	s6 =	sshll.u32 s28, $0x1;
	[dreg:$0x2] =	wrdreg s4  }
0xb8: {  	[dreg:$0x3] =	wrdreg s6  }
0xb9: {  	[dreg:$0x4] =	wrdreg $0xC0  }
0xba: {  	_ =	task [dreg:s22], $0x5FFFF  }
0xbb: {  	[dreg:$0x1] =	wrdreg $0xFFFFFFFF  }
0xbc: {  	[dreg:$0x0] =	wrdreg $0x60  }
0xbd: {  	[dreg:$0x2] =	wrdreg s24  }
0xbe: {  	[dreg:$0x3] =	wrdreg s18  }
0xbf: {  	[dreg:$0x4] =	wrdreg $0x40800  }
0xc0: {  	[dreg:$0x5] =	wrdreg $0xA  }
0xc1: {  	_ =	task.clear_ibuf [dreg:s22], $0x6FFFF;
	_ =	strace $0x9000004F  }
0xc2: {  	s29 =	simm.s32 $0xA;
	_ =	strace $0x80000051  }
0xc3: {  	_ =	swait.ge [sflag:s29], $0x1  }
0xc4: {  	[sflag:s29] =	ssyncadd.s32 $0xFFFFFFFF  }
0xc5: {  	_ =	strace $0x90000051  }
0xc6: {  	_ =	sfence  }
0xc7: {  	s30 =	sld [smem:$0x0];
	_ =	sdelay $0x2  }
0xc8: {  	s31 =	sshll.u32 s1, $0xD;
	s1 =	sshrl.u32 s1, $0x2  }
0xc9: {  	s4 =	sand.u32 $0x4000, s31;
	s1 =	sadd.s32 s1, s30  }
0xca: {  	s0 =	sor.u32 s4, s0;
	s1 =	sshll.u32 s1, $0x11  }
0xcb: {  	s0 =	sor.u32 s1, s0  }
0xcc: {  	s0 =	sadd.s32 $0x8F2B, s0  }
0xcd: {  	[sflag:s0] =	ssyncadd.remote.s32 $0x1  }
0xce: {  	_ =	sfence.sel $0xFFFF  }
0xcf: {  	[dreg:$0x0] =	wrdreg $0xFFFFFFFF;
	(pc) =	sbr.abs _section_cstart, $3  }
0xd0: {  	[dreg:$0x1] =	wrdreg $0xFFFFFFFF  }
0xd1: {  	_ =	task.clear_ibuf [dreg:s22], $0x2FFFF;
	_ =	strace $0x9FFFFFFF  }
0xd2: {  	(tm) =	ssettm $0x7FFFFFFF  }
0xd3: {  	_ =	shalt  }
tec
execute0_lowered:
.L_overlay_start_1:
0x0: {  	(tag) =	ssettag $0x1  }
0x1: {  	s4 =	rddreg [dreg:$0x0]  }
0x2: {  	s0 =	srdreg.scid;
	s1 =	rddreg [dreg:$0x1]  }
0x3: {  	s10 =	stileid.u32;
	s2 =	rddreg [dreg:$0x2]  }
0x4: {  	s3 =	simm.s32 $0x0;
	s12 =	simm.s32 $0x4000;
	s13 =	simm.s32 $0x80  }
0x5: {  	s14 =	simm.s32 $0x0;
	s5 =	sand.u32 $0x1, s0;
	s0 =	rddreg [dreg:$0x3]  }
0x6: {  	s6 =	smul.u32 $0x1388, s10;
	[smem:$0x7FF] =	sst s3;
	s8 =	sshll.u32 s10, $0x1  }
0x7: {  	p0 =	sne.s32 s10, $0x0;
	s7 =	smul.u32 $0x9C4, s5;
	_ =	strace $0x80000050  }
0x8: {  	s26 =	smul.u32 $0x27100, s5;
	s8 =	sor.u32 s5, s8;
	s5 =	ssub.s32 $0x2, s5  }
0x9: {  	s10 =	sshrl.u32 @!p0 s2, $0x3;
	s8 =	smul.u32 $0x9C4, s8;
	s29 =	sshrl.u32 s5, $0x1  }
0xa: {  	s6 =	sadd.s32 s7, s6;
	s28 =	sadd.s32 s26, s4;
	s30 =	ssub.s32 s5, s29  }
.Ltmp0:
0xb: {  	s6 =	sshrl.u32 s6, $0x5;
	s31 =	sadd.s32 $0x9C4, s8;
	(pc) =	sbr.rel .LBB2_1-.Ltmp0, $4  }
0xc: {  	s7 =	smax.u32 s30, $0x1;
	s25 =	sshll.u32 s6, $0xB;
	s6 =	sshll.u32 s6, $0x4  }
0xd: {  	s5 =	sshrl.u32 s31, $0x5;
	s9 =	sadd.s32 s25, s4;
	s11 =	sadd.s32 s6, s4  }
0xe: {  	s4 =	sshrl.u32 s8, $0x5;
	s6 =	sadd.s32 $0x51600, s28;
	s8 =	sadd.s32 $0x47800, s11  }
0xf: {  	s9 =	sadd.s32 $0xF46000, s9;
	p1 =	sge.u32 s4, s5;
	s11 =	simm.s32 $0x1  }
.LBB2_4:
0x10: {  	[sflag:s11] =	ssyncadd.s32 $0xFFFFC000  }
.LBB2_5:
0x11: {  	s14 =	sadd.s32 $0x1, s14  }
0x12: {  	p2 =	sne.s32 s14, s7  }
.Ltmp1:
0x13: {  	[bflag:$0x0] =	sbarrier.arrive $0xFFFF;
	(pc) =	sbr.rel @!p2 .LBB2_6-.Ltmp1, $4  }
0x14: {  	[hbm:s6], [sflag:s16] =	dma.local @!p0 [spmem:s10], $0x27100  }
0x15: {  	_ =	swait.ge @!p0 [sflag:s15], $0x27100  }
0x16: {  	[sflag:s15] =	ssyncset.done @!p0 $0x0  }
0x17: {  	[sflag:s15] =	ssyncadd.s32 @!p0 $0xFFFD8F00  }
.LBB2_1:
0x18: {  	s16 =	simm.s32 @!p0 $0x1C01;
	s15 =	simm.s32 @!p0 $0x1  }
0x19: {  	[spmem:s10], [sflag:s16] =	dma.local @!p0 [hbm:s1], $0x27100  }
.Ltmp2:
0x1a: {  	_ =	swait.ge @!p0 [sflag:s15], $0x27100;
	(pc) =	sbr.rel @p1 .LBB2_5-.Ltmp2, $3  }
0x1b: {  	[sflag:s15] =	ssyncset.done @!p0 $0x0  }
0x1c: {  	[sflag:s15] =	ssyncadd.s32 @!p0 $0xFFFD8F00  }
0x1d: {  	[bflag:$0x0] =	sbarrier.arrive $0xFFFF;
	_ =	sdelay $0x1  }
0x1e: {  	[tilespmem:s3], [sflag:$0x1] =	stream.linear.gather [hbm4b:s9+s3], $0x4000, $0x38;
	[tilespmem:$0x17900] =	vst v63  }
0x1f: {  	_ =	swait.ge [sflag:s11], $0x4000  }
0x20: {  	[sflag:s11] =	ssyncset.done $0x0  }
0x21: {  	s17 =	sadd.s32 $0x1, s4;
	[sflag:s11] =	ssyncadd.s32 $0xFFFFC000  }
0x22: {  	[tilespmem:s12], [sflag:$0x1] =	stream.linear.gather [hbm4b:s8+s3], $0x80, $0x38;
	[tilespmem:$0x17900] =	vst v63  }
0x23: {  	p2 =	slt.u32 s17, s5;
	_ =	swait.ge [sflag:s11], $0x80  }
.Ltmp3:
0x24: {  	[sflag:s11] =	ssyncset.done $0x0;
	(pc) =	sbr.rel @!p2 .LBB2_4-.Ltmp3, $4  }
0x25: {  	[sflag:s11] =	ssyncadd.s32 $0xFFFFFF80  }
0x26: {  	[spmem:s2] =	stream.indirect.scatter.add.f32 [tilespmem:s3], [sflag:$0x1], $0x80, s12, s13, $0xb8;
	[tilespmem:$0x17900] =	vst v63  }
0x27: {  	_ =	swait.ge [sflag:s11], $0x4000  }
0x28: {  	s18 =	sadd.s32 $0x800, s9;
	s19 =	smov.u32 s8;
	[sflag:s11] =	ssyncset.done $0x0  }
.LBB2_3:
0x29: {  	s17 =	sadd.s32 $0x1, s17;
	[sflag:s11] =	ssyncadd.s32 $0xFFFFC000;
	s19 =	sadd.s32 $0x10, s19  }
0x2a: {  	[tilespmem:s3], [sflag:$0x1] =	stream.linear.gather [hbm4b:s18+s3], $0x4000, $0x38;
	[tilespmem:$0x17900] =	vst v63  }
0x2b: {  	p2 =	slt.u32 s17, s5;
	_ =	swait.ge [sflag:s11], $0x4000  }
0x2c: {  	[sflag:s11] =	ssyncset.done $0x0  }
0x2d: {  	[sflag:s11] =	ssyncadd.s32 $0xFFFFC000  }
0x2e: {  	[tilespmem:s12], [sflag:$0x1] =	stream.linear.gather [hbm4b:s19+s3], $0x80, $0x38;
	[tilespmem:$0x17900] =	vst v63  }
0x2f: {  	_ =	swait.ge [sflag:s11], $0x80  }
.Ltmp4:
0x30: {  	[sflag:s11] =	ssyncset.done $0x0;
	(pc) =	sbr.rel @p2 .LBB2_3-.Ltmp4, $4  }
0x31: {  	[sflag:s11] =	ssyncadd.s32 $0xFFFFFF80  }
0x32: {  	[spmem:s2] =	stream.indirect.scatter.add.f32 [tilespmem:s3], [sflag:$0x1], $0x80, s12, s13, $0xb8;
	[tilespmem:$0x17900] =	vst v63  }
0x33: {  	_ =	swait.ge [sflag:s11], $0x4000  }
0x34: {  	s18 =	sadd.s32 $0x800, s18;
	[sflag:s11] =	ssyncset.done $0x0  }
.Ltmp5:
0x35: {  	_ = 	snop;
	(pc) =	sbr.rel .LBB2_4-.Ltmp5, $1  }
0x36: {  	_ =	sdelay $0x3  }
.LBB2_6:
0x37: {  	_ =	sfence.sel $0x180000  }
0x38: {  	[bflag:$0x0] =	sbarrier.arrive $0xFFFF  }
0x39: {  	_ =	strace $0x90000050  }
0x3a: {  	s0 =	sadd.s32 @!p0 $0x100000, s0;
	[bflag:$0x2] =	sbarrier.arrive $0xFFFF  }
0x3b: {  	[sflag:s0] =	ssyncadd.tile.s32 @!p0 $0x1;
	_ =	shalt  }
.Lfunc_end2:
_tile_overlayer_lowered:
.L_overlay_start_2:
0x3c: {  	(tag) =	ssettag $0x2  }
0x3d: {  	s0 =	rddreg [dreg:$0x0];
	s2 =	stileid.u32  }
0x3e: {  	s1 =	rddreg [dreg:$0x1];
	p0 =	sne.s32 s2, $0x0  }
0x3f: {  	s3 =	rddreg [dreg:$0x2];
	[bflag:$0x3] =	sbarrier.arrive $0xFFFF;
	s2 =	simm.s32 @!p0 $0x1C01  }
0x40: {  	[timem:s3], [sflag:s2] =	dma.local @!p0 [hbm:s0], s1  }
0x41: {  	s0 =	simm.s32 @!p0 $0x1  }
0x42: {  	_ =	swait.ge @!p0 [sflag:s0], s1  }
0x43: {  	s1 =	ssub.s32 @!p0 $0x0, s1;
	[sflag:s0] =	ssyncset.done @!p0 $0x0  }
0x44: {  	[sflag:s0] =	ssyncadd.s32 @!p0 s1  }
0x45: {  	[bflag:$0x3] =	sbarrier.arrive $0xFFFF  }
0x46: {  	_ =	shalt  }

// kernel: kernel.17.cloned.1.call-start
scs
__scs_entry_jumppad:
0x0: {  	(pc) =	sbr.rel $0x88, $3  }
0x1: {  	(tag) =	ssettag $0x0;
	lr =	simm.s32 $0x1  }
0x2: {  	[smem:$0x3F93] =	sst lr;
	_ =	strace $0xD0000000  }
0x3: {  	_ = 	snop  }
0x4: {  	_ = 	snop  }
0x5: {  	_ = 	snop  }
0x6: {  	_ = 	snop  }
0x7: {  	_ = 	snop  }
__scs_overlays_trampoline_lowered:
0x8: {  	[smem:$0x3FA2] =	sst s0  }
0x9: {  	[smem:$0x3FA3] =	sst s1  }
0xa: {  	[smem:$0x3FA4] =	sst s2  }
0xb: {  	[smem:$0x3FA5] =	sst s3  }
0xc: {  	[smem:$0x3FA6] =	sst s4  }
0xd: {  	[smem:$0x3FA7] =	sst s5  }
0xe: {  	[smem:$0x3FA8] =	sst s6  }
0xf: {  	[smem:$0x3FA9] =	sst s7  }
0x10: {  	[smem:$0x3FAA] =	sst s8  }
0x11: {  	[smem:$0x3FAB] =	sst s9;
	s0 =	simm.s32 @!p0 $0x0  }
0x12: {  	s1 =	sld [smem:$0x3F91];
	s0 =	simm.s32 @p0 $0x1  }
0x13: {  	[smem:$0x3FAC] =	sst s0;
	s0 =	simm.s32 @!p1 $0x0  }
0x14: {  	s2 =	sld [smem:$0x3F90];
	s0 =	simm.s32 @p1 $0x1  }
0x15: {  	[smem:$0x3FAD] =	sst s0;
	s0 =	simm.s32 @!p2 $0x0  }
0x16: {  	s3 =	sld [smem:$0x3FDB];
	s0 =	simm.s32 @p2 $0x1  }
0x17: {  	s4 =	simm.s32 $0x1BF5;
	[smem:$0x3FAF] =	sst s0  }
0x18: {  	s0 =	sld [smem:$0x3F92];
	_ =	swait.ge [sflag:s4], $0x0  }
0x19: {  	s7 =	sld [smem:$0x3F93]  }
0x1a: {  	s8 =	sadd.s32 $0xFFFFE003, lr  }
0x1b: {  	s9 =	sadd.s32 $0xFFFFFEF7, lr;
	s5 =	simm.s32 $0xFFFFFFFF;
	p2 =	slt.u32 s8, $0xFFFFF086  }
0x1c: {  	p1 =	slt.u32 s9, $0xF7A;
	s5 =	simm.s32 @!p2 $0x0  }
0x1d: {  	s5 =	simm.s32 @p1 $0x1;
	p0 =	seq.s32 s7, s2  }
0x1e: {  	s7 =	smul.u32 @!p0 $0xF7A, s2;
	p2 =	seq.s32 @!p0 s5, $0x0  }
0x1f: {  	s9 =	smul.u32 $0xF7A, s1;
	s8 =	simm.s32 @!p0 $0x1BF5;
	p2 =	por !p2, p0  }
0x20: {  	[sflag:s8] =	ssyncset.s32 @!p0 $0xFFFFF086;
	s6 =	sadd.s32 @!p0 s3, s7;
	s7 =	simm.s32 @!p0 $0x108  }
0x21: {  	s3 =	sadd.s32 s3, s9;
	s6 =	sadd.s32 @!p0 $0x88, s6;
	s7 =	simm.s32 @p2 $0x1082  }
0x22: {  	[simem:s7], [sflag:s8] =	dma.local @!p0 [hbm:s6], $0xF7A  }
0x23: {  	s9 =	sor.u32 $0xD0000000, s2;
	s6 =	simm.s32 $0x108;
	_ =	swait.ge @!p0 [sflag:s8], $0x0  }
0x24: {  	s3 =	sadd.s32 $0x88, s3;
	s6 =	simm.s32 @!p1 $0x1082;
	[sflag:s4] =	ssyncset.s32 $0xFFFFF086  }
0x25: {  	[simem:s6], [sflag:s4] =	dma.local [hbm:s3], $0xF7A  }
0x26: {  	[smem:$0x3F93] =	sst s1;
	(tag) =	ssettag s2;
	_ =	strace s9  }
0x27: {  	s1 =	sld [smem:$0x3FA3]  }
0x28: {  	s2 =	sld [smem:$0x3FA4]  }
0x29: {  	s4 =	sld [smem:$0x3FA6]  }
0x2a: {  	p0 =	seq.s32 s5, $0x0;
	s5 =	sld [smem:$0x3FA7]  }
0x2b: {  	s6 =	sld [smem:$0x3FA8]  }
0x2c: {  	s7 =	sld [smem:$0x3FA9]  }
0x2d: {  	s3 =	simm.s32 $0x108;
	s8 =	sld [smem:$0x3FAA]  }
0x2e: {  	s3 =	simm.s32 @!p0 $0x1082;
	s9 =	sld [smem:$0x3FAB]  }
0x2f: {  	lr =	sadd.s32 s0, s3;
	s0 =	sld [smem:$0x3FA2]  }
0x30: {  	s3 =	sld [smem:$0x3FA5]  }
0x31: {  	[smem:$0x3FAE] =	sst s10  }
0x32: {  	s10 =	sld [smem:$0x3FAC];
	_ =	sdelay $0x3  }
0x33: {  	p0 =	seq.s32 s10, $0x1;
	s10 =	sld [smem:$0x3FAE];
	_ =	sdelay $0x3  }
0x34: {  	[smem:$0x3FAE] =	sst s10  }
0x35: {  	s10 =	sld [smem:$0x3FAD];
	_ =	sdelay $0x3  }
0x36: {  	p1 =	seq.s32 s10, $0x1;
	s10 =	sld [smem:$0x3FAE];
	_ =	sdelay $0x3  }
0x37: {  	[smem:$0x3FAE] =	sst s10  }
0x38: {  	s10 =	sld [smem:$0x3FAF]  }
0x39: {  	_ = 	snop;
	(pc) =	sbr.ind lr, $3  }
0x3a: {  	_ = 	snop  }
0x3b: {  	_ = 	snop  }
0x3c: {  	p2 =	seq.s32 s10, $0x1;
	s10 =	sld [smem:$0x3FAE]  }
0x3d: {  	_ =	shalt  }
0x3e: {  	_ =	shalt  }
0x3f: {  	_ =	shalt  }
0x40: {  	_ =	shalt  }
0x41: {  	_ =	shalt  }
0x42: {  	_ =	shalt  }
0x43: {  	_ =	shalt  }
0x44: {  	_ =	shalt  }
0x45: {  	_ =	shalt  }
0x46: {  	_ =	shalt  }
0x47: {  	_ =	shalt  }
0x48: {  	_ =	shalt  }
0x49: {  	_ =	shalt  }
0x4a: {  	_ =	shalt  }
0x4b: {  	_ =	shalt  }
0x4c: {  	_ =	shalt  }
0x4d: {  	_ =	shalt  }
0x4e: {  	_ =	shalt  }
0x4f: {  	_ =	shalt  }
0x50: {  	_ =	shalt  }
0x51: {  	_ =	shalt  }
0x52: {  	_ =	shalt  }
0x53: {  	_ =	shalt  }
0x54: {  	_ =	shalt  }
0x55: {  	_ =	shalt  }
0x56: {  	_ =	shalt  }
0x57: {  	_ =	shalt  }
0x58: {  	_ =	shalt  }
0x59: {  	_ =	shalt  }
0x5a: {  	_ =	shalt  }
0x5b: {  	_ =	shalt  }
0x5c: {  	_ =	shalt  }
0x5d: {  	_ =	shalt  }
0x5e: {  	_ =	shalt  }
0x5f: {  	_ =	shalt  }
0x60: {  	_ =	shalt  }
0x61: {  	_ =	shalt  }
0x62: {  	_ =	shalt  }
0x63: {  	_ =	shalt  }
0x64: {  	_ =	shalt  }
0x65: {  	_ =	shalt  }
0x66: {  	_ =	shalt  }
0x67: {  	_ =	shalt  }
0x68: {  	_ =	shalt  }
0x69: {  	_ =	shalt  }
0x6a: {  	_ =	shalt  }
0x6b: {  	_ =	shalt  }
0x6c: {  	_ =	shalt  }
0x6d: {  	_ =	shalt  }
0x6e: {  	_ =	shalt  }
0x6f: {  	_ =	shalt  }
0x70: {  	_ =	shalt  }
0x71: {  	_ =	shalt  }
0x72: {  	_ =	shalt  }
0x73: {  	_ =	shalt  }
0x74: {  	_ =	shalt  }
0x75: {  	_ =	shalt  }
0x76: {  	_ =	shalt  }
0x77: {  	_ =	shalt  }
0x78: {  	_ =	shalt  }
0x79: {  	_ =	shalt  }
0x7a: {  	_ =	shalt  }
0x7b: {  	_ =	shalt  }
0x7c: {  	_ =	shalt  }
0x7d: {  	_ =	shalt  }
0x7e: {  	_ =	shalt  }
0x7f: {  	_ =	shalt  }
0x80: {  	_ =	shalt  }
0x81: {  	_ =	shalt  }
0x82: {  	_ =	shalt  }
0x83: {  	_ =	shalt  }
0x84: {  	_ =	shalt  }
0x85: {  	_ =	shalt  }
0x86: {  	_ =	shalt  }
0x87: {  	_ =	shalt  }
.Lfunc_end0:
.L_simem_size_0:
called_computation.3_lowered:
.L_overlay_start_0:
0x88: {  	s2 =	sld [smem:$0x3FD9]  }
0x89: {  	s3 =	sld [smem:$0x3FFE];
	_ =	sdelay $0x1  }
0x8a: {  	s1 =	srdreg.scid  }
0x8b: {  	s0 =	sand.u32 $0x1, s1  }
0x8c: {  	s17 =	sshll.u32 s0, $0xA;
	s2 =	sadd.s32 s3, s2  }
0x8d: {  	s2 =	sadd.s32 s2, s17  }
0x8e: {  	[smem:$0x3FBA] =	sst s2  }
0x8f: {  	_ = 	snop  }
0x90: {  	s18 =	sld [smem:$0x3FD0];
	(tm) =	ssettm $0x1  }
0x91: {  	s19 =	sld [smem:$0x3FFB];
	_ =	sdelay $0x3  }
0x92: {  	_ =	strace s19  }
0x93: {  	s2 =	sld [smem:$0x3FFC];
	_ =	sdelay $0x3  }
0x94: {  	_ =	strace s2  }
0x95: {  	s2 =	sld [smem:$0x3FFD];
	_ =	sdelay $0x3  }
0x96: {  	_ =	strace s2  }
0x97: {  	_ =	strace $0x8FFFFFFF  }
0x98: {  	s20 =	sld [smem:$0x3FDB];
	_ =	sdelay $0x1  }
0x99: {  	s4 =	simm.s32 $_scs_section_size  }
0x9a: {  	s5 =	simm.s32 $_size__tile_overlayer_lowered;
	s6 =	simm.s32 $_tile_overlayer_lowered  }
0x9b: {  	s7 =	simm.s32 $0x1BFF;
	s21 =	sshll.u32 s6, $0x1;
	s4 =	sadd.s32 s4, s20  }
0x9c: {  	s22 =	simm.s32 $0x0;
	s5 =	sshll.u32 s5, $0x1;
	s6 =	sadd.s32 s21, s4  }
0x9d: {  	[timem:s22], [sflag:s7] =	dma.local [hbm:s6], s5  }
0x9e: {  	_ =	swait.ge [sflag:s7], s5  }
0x9f: {  	s5 =	ssub.s32 $0x0, s5;
	[sflag:s7] =	ssyncset.done $0x0  }
0xa0: {  	[sflag:s7] =	ssyncadd.s32 s5;
	_ =	sdelay $0x1  }
0xa1: {  	s23 =	simm.s32 $0x1B8B  }
0xa2: {  	_ =	swait.ge [sflag:s23], $0x1  }
0xa3: {  	[sflag:s23] =	ssyncset.done $0x0  }
0xa4: {  	[sflag:s23] =	ssyncadd.s32 $0xFFFFFFFF  }
0xa5: {  	s5 =	sld [smem:$0x0]  }
0xa6: {  	s6 =	sand.u32 $0xFFFFFFFE, s1  }
0xa7: {  	p0 =	sne.s32 s1, s6  }
0xa8: {  	s6 =	sshll.u32 @p0 s6, $0xE  }
0xa9: {  	s6 =	sadd.s32 @p0 $0x11B8D, s6;
	s7 =	sshll.u32 @p0 s5, $0x11  }
0xaa: {  	s6 =	sor.u32 @p0 s7, s6  }
0xab: {  	[sflag:s6] =	ssyncadd.remote.s32 @p0 $0x1;
	_ =	sdelay $0x1  }
0xac: {  	s6 =	simm.s32 @p0 $0x1B8D  }
0xad: {  	_ =	swait.eq @p0 [sflag:s6], $0x1  }
0xae: {  	[sflag:s6] =	ssyncadd.s32 @p0 $0xFFFFFFFF  }
0xaf: {  	s7 =	sshll.u32 @!p0 s1, $0xE  }
0xb0: {  	s7 =	sor.u32 @!p0 $0x4000, s7;
	s6 =	simm.s32 @!p0 $0x1B8D  }
0xb1: {  	s5 =	sshll.u32 @!p0 s5, $0x11;
	s7 =	sadd.s32 @!p0 $0x11B8D, s7;
	_ =	swait.eq @!p0 [sflag:s6], $0x1  }
0xb2: {  	s5 =	sor.u32 @!p0 s5, s7;
	[sflag:s6] =	ssyncadd.s32 @!p0 $0xFFFFFFFF  }
0xb3: {  	s25 =	simm.s32 $0x1B8E;
	s24 =	sld [smem:$0x3FFE];
	[sflag:s5] =	ssyncadd.remote.s32 @!p0 $0x1  }
0xb4: {  	s26 =	simm.s32 $execute0_lowered;
	[smem:$0x3FD2] =	sst s25  }
0xb5: {  	s6 =	sshll.u32 s26, $0x1;
	_ =	strace $0x8000004C;
	[dreg:$0x1] =	wrdreg $0xFFFFFFFF  }
0xb6: {  	s28 =	simm.s32 $_size_execute0_lowered;
	s4 =	sadd.s32 s4, s6;
	[dreg:$0x0] =	wrdreg $0x0  }
0xb7: {  	s6 =	sshll.u32 s28, $0x1;
	[dreg:$0x2] =	wrdreg s4  }
0xb8: {  	[dreg:$0x3] =	wrdreg s6  }
0xb9: {  	[dreg:$0x4] =	wrdreg $0xC0  }
0xba: {  	_ =	task [dreg:s22], $0x5FFFF  }
0xbb: {  	[dreg:$0x1] =	wrdreg $0xFFFFFFFF  }
0xbc: {  	[dreg:$0x0] =	wrdreg $0x60  }
0xbd: {  	[dreg:$0x2] =	wrdreg s24  }
0xbe: {  	[dreg:$0x3] =	wrdreg s18  }
0xbf: {  	[dreg:$0x4] =	wrdreg $0x40800  }
0xc0: {  	[dreg:$0x5] =	wrdreg $0x9  }
0xc1: {  	_ =	task.clear_ibuf [dreg:s22], $0x6FFFF;
	_ =	strace $0x9000004C  }
0xc2: {  	s29 =	simm.s32 $0x9;
	_ =	strace $0x8000004E  }
0xc3: {  	_ =	swait.ge [sflag:s29], $0x1  }
0xc4: {  	[sflag:s29] =	ssyncadd.s32 $0xFFFFFFFF  }
0xc5: {  	_ =	strace $0x9000004E  }
0xc6: {  	_ =	sfence  }
0xc7: {  	s30 =	sld [smem:$0x0];
	_ =	sdelay $0x2  }
0xc8: {  	s31 =	sshll.u32 s1, $0xD;
	s1 =	sshrl.u32 s1, $0x2  }
0xc9: {  	s4 =	sand.u32 $0x4000, s31;
	s1 =	sadd.s32 s1, s30  }
0xca: {  	s0 =	sor.u32 s4, s0;
	s1 =	sshll.u32 s1, $0x11  }
0xcb: {  	s0 =	sor.u32 s1, s0  }
0xcc: {  	s0 =	sadd.s32 $0x8F2B, s0  }
0xcd: {  	[sflag:s0] =	ssyncadd.remote.s32 $0x1  }
0xce: {  	_ =	sfence.sel $0xFFFF  }
0xcf: {  	[dreg:$0x0] =	wrdreg $0xFFFFFFFF;
	(pc) =	sbr.abs _section_cstart, $3  }
0xd0: {  	[dreg:$0x1] =	wrdreg $0xFFFFFFFF  }
0xd1: {  	_ =	task.clear_ibuf [dreg:s22], $0x2FFFF;
	_ =	strace $0x9FFFFFFF  }
0xd2: {  	(tm) =	ssettm $0x7FFFFFFF  }
0xd3: {  	_ =	shalt  }
tec
execute0_lowered:
.L_overlay_start_1:
0x0: {  	(tag) =	ssettag $0x1  }
0x1: {  	s5 =	rddreg [dreg:$0x0]  }
0x2: {  	s0 =	srdreg.scid;
	s1 =	rddreg [dreg:$0x1]  }
0x3: {  	s9 =	stileid.u32;
	s2 =	rddreg [dreg:$0x2]  }
0x4: {  	s3 =	simm.s32 $0x0;
	s6 =	sand.u32 $0x1, s0;
	s4 =	smul.u32 $0x1388, s9  }
0x5: {  	s13 =	simm.s32 $0x0;
	s0 =	rddreg [dreg:$0x3];
	s7 =	smul.u32 $0x9C4, s6  }
0x6: {  	[smem:$0x7FF] =	sst s3;
	s30 =	sshll.u32 s9, $0x1;
	s8 =	smul.u32 $0x27100, s6  }
0x7: {  	p0 =	sne.s32 s9, $0x0;
	_ =	strace $0x8000004D;
	s4 =	sadd.s32 s7, s4  }
0x8: {  	s7 =	sor.u32 s6, s30;
	s6 =	ssub.s32 $0x2, s6;
	s8 =	sadd.s32 s8, s5  }
0x9: {  	s4 =	sshrl.u32 s4, $0x1;
	s7 =	smul.u32 $0x9C4, s7;
	s31 =	sshrl.u32 s6, $0x1  }
.Ltmp0:
0xa: {  	s4 =	sand.u32 $0x1FFF0, s4;
	s12 =	ssub.s32 s6, s31;
	(pc) =	sbr.rel .LBB2_1-.Ltmp0, $4  }
0xb: {  	s10 =	sadd.s32 s4, s5;
	s4 =	sadd.s32 $0xEF7600, s5;
	s11 =	sadd.s32 $0x9C4, s7  }
0xc: {  	s5 =	sshrl.u32 s7, $0x5;
	s7 =	sadd.s32 $0xEF7E00, s8;
	s8 =	smax.u32 s12, $0x1  }
0xd: {  	s12 =	simm.s32 $0x1;
	s6 =	sshrl.u32 s11, $0x5;
	s9 =	sadd.s32 $0x47800, s10  }
0xe: {  	s10 =	sshrl.u32 @!p0 s2, $0x3;
	s11 =	simm.s32 $0x80;
	p1 =	sge.u32 s5, s6  }
.LBB2_4:
0xf: {  	[sflag:s12] =	ssyncadd.s32 $0xFFFFC000  }
.LBB2_5:
0x10: {  	s13 =	sadd.s32 $0x1, s13  }
0x11: {  	p2 =	sne.s32 s13, s8  }
.Ltmp1:
0x12: {  	[bflag:$0x0] =	sbarrier.arrive $0xFFFF;
	(pc) =	sbr.rel @!p2 .LBB2_6-.Ltmp1, $4  }
0x13: {  	[hbm:s7], [sflag:s15] =	dma.local @!p0 [spmem:s10], $0x27100  }
0x14: {  	_ =	swait.ge @!p0 [sflag:s14], $0x27100  }
0x15: {  	[sflag:s14] =	ssyncset.done @!p0 $0x0  }
0x16: {  	[sflag:s14] =	ssyncadd.s32 @!p0 $0xFFFD8F00  }
.LBB2_1:
0x17: {  	s15 =	simm.s32 @!p0 $0x1C01;
	s14 =	simm.s32 @!p0 $0x1  }
0x18: {  	[spmem:s10], [sflag:s15] =	dma.local @!p0 [hbm:s1], $0x27100  }
0x19: {  	_ =	swait.ge @!p0 [sflag:s14], $0x27100  }
0x1a: {  	[sflag:s14] =	ssyncset.done @!p0 $0x0  }
0x1b: {  	[sflag:s14] =	ssyncadd.s32 @!p0 $0xFFFD8F00  }
0x1c: {  	[tilespmem:s11], [sflag:$0x1] =	stream.linear.gather [hbm4b:s4+s3], $0x4000, $0x38;
	[tilespmem:$0x17900] =	vst v63  }
.Ltmp2:
0x1d: {  	_ =	swait.ge [sflag:s12], $0x4000;
	(pc) =	sbr.rel @p1 .LBB2_5-.Ltmp2, $3  }
0x1e: {  	[sflag:s12] =	ssyncset.done $0x0  }
0x1f: {  	[sflag:s12] =	ssyncadd.s32 $0xFFFFC000  }
0x20: {  	[bflag:$0x0] =	sbarrier.arrive $0xFFFF;
	_ =	sdelay $0x1  }
0x21: {  	[tilespmem:s3], [sflag:$0x1] =	stream.linear.gather [hbm4b:s9+s3], $0x80, $0x38;
	[tilespmem:$0x17900] =	vst v63  }
0x22: {  	s16 =	sadd.s32 $0x1, s5  }
0x23: {  	_ =	swait.ge [sflag:s12], $0x80;
	p2 =	slt.u32 s16, s6  }
.Ltmp3:
0x24: {  	[sflag:s12] =	ssyncset.done $0x0;
	(pc) =	sbr.rel @!p2 .LBB2_4-.Ltmp3, $4  }
0x25: {  	[sflag:s12] =	ssyncadd.s32 $0xFFFFFF80  }
0x26: {  	[spmem:s2] =	stream.indirect.scatter.add.f32 [tilespmem:s11], [sflag:$0x1], $0x80, s3, s11, $0xb8;
	[tilespmem:$0x17900] =	vst v63  }
0x27: {  	_ =	swait.ge [sflag:s12], $0x4000  }
0x28: {  	s17 =	smov.u32 s9;
	[sflag:s12] =	ssyncset.done $0x0  }
.LBB2_3:
0x29: {  	s16 =	sadd.s32 $0x1, s16;
	[sflag:s12] =	ssyncadd.s32 $0xFFFFC000;
	s17 =	sadd.s32 $0x10, s17  }
0x2a: {  	[tilespmem:s3], [sflag:$0x1] =	stream.linear.gather [hbm4b:s17+s3], $0x80, $0x38;
	[tilespmem:$0x17900] =	vst v63  }
0x2b: {  	p2 =	slt.u32 s16, s6;
	_ =	swait.ge [sflag:s12], $0x80  }
.Ltmp4:
0x2c: {  	[sflag:s12] =	ssyncset.done $0x0;
	(pc) =	sbr.rel @p2 .LBB2_3-.Ltmp4, $4  }
0x2d: {  	[sflag:s12] =	ssyncadd.s32 $0xFFFFFF80  }
0x2e: {  	[spmem:s2] =	stream.indirect.scatter.add.f32 [tilespmem:s11], [sflag:$0x1], $0x80, s3, s11, $0xb8;
	[tilespmem:$0x17900] =	vst v63  }
0x2f: {  	_ =	swait.ge [sflag:s12], $0x4000  }
0x30: {  	[sflag:s12] =	ssyncset.done $0x0  }
.Ltmp5:
0x31: {  	_ = 	snop;
	(pc) =	sbr.rel .LBB2_4-.Ltmp5, $1  }
0x32: {  	_ =	sdelay $0x3  }
.LBB2_6:
0x33: {  	_ =	sfence.sel $0x180000  }
0x34: {  	[bflag:$0x0] =	sbarrier.arrive $0xFFFF  }
0x35: {  	_ =	strace $0x9000004D  }
0x36: {  	s0 =	sadd.s32 @!p0 $0x100000, s0;
	[bflag:$0x2] =	sbarrier.arrive $0xFFFF  }
0x37: {  	[sflag:s0] =	ssyncadd.tile.s32 @!p0 $0x1;
	_ =	shalt  }
.Lfunc_end2:
_tile_overlayer_lowered:
.L_overlay_start_2:
0x38: {  	(tag) =	ssettag $0x2  }
0x39: {  	s0 =	rddreg [dreg:$0x0];
	s2 =	stileid.u32  }
0x3a: {  	s1 =	rddreg [dreg:$0x1];
	p0 =	sne.s32 s2, $0x0  }
0x3b: {  	s3 =	rddreg [dreg:$0x2];
	[bflag:$0x3] =	sbarrier.arrive $0xFFFF;
	s2 =	simm.s32 @!p0 $0x1C01  }
0x3c: {  	[timem:s3], [sflag:s2] =	dma.local @!p0 [hbm:s0], s1  }
0x3d: {  	s0 =	simm.s32 @!p0 $0x1  }
0x3e: {  	_ =	swait.ge @!p0 [sflag:s0], s1  }
0x3f: {  	s1 =	ssub.s32 @!p0 $0x0, s1;
	[sflag:s0] =	ssyncset.done @!p0 $0x0  }
0x40: {  	[sflag:s0] =	ssyncadd.s32 @!p0 s1  }
0x41: {  	[bflag:$0x3] =	sbarrier.arrive $0xFFFF  }
0x42: {  	_ =	shalt  }

// kernel: kernel.8.cloned.1.call-start
scs
__scs_entry_jumppad:
0x0: {  	(pc) =	sbr.rel $0x88, $3  }
0x1: {  	(tag) =	ssettag $0x0;
	lr =	simm.s32 $0x1  }
0x2: {  	[smem:$0x3F93] =	sst lr;
	_ =	strace $0xD0000000  }
0x3: {  	_ = 	snop  }
0x4: {  	_ = 	snop  }
0x5: {  	_ = 	snop  }
0x6: {  	_ = 	snop  }
0x7: {  	_ = 	snop  }
__scs_overlays_trampoline_lowered:
0x8: {  	[smem:$0x3FA2] =	sst s0  }
0x9: {  	[smem:$0x3FA3] =	sst s1  }
0xa: {  	[smem:$0x3FA4] =	sst s2  }
0xb: {  	[smem:$0x3FA5] =	sst s3  }
0xc: {  	[smem:$0x3FA6] =	sst s4  }
0xd: {  	[smem:$0x3FA7] =	sst s5  }
0xe: {  	[smem:$0x3FA8] =	sst s6  }
0xf: {  	[smem:$0x3FA9] =	sst s7  }
0x10: {  	[smem:$0x3FAA] =	sst s8  }
0x11: {  	[smem:$0x3FAB] =	sst s9;
	s0 =	simm.s32 @!p0 $0x0  }
0x12: {  	s1 =	sld [smem:$0x3F91];
	s0 =	simm.s32 @p0 $0x1  }
0x13: {  	[smem:$0x3FAC] =	sst s0;
	s0 =	simm.s32 @!p1 $0x0  }
0x14: {  	s2 =	sld [smem:$0x3F90];
	s0 =	simm.s32 @p1 $0x1  }
0x15: {  	[smem:$0x3FAD] =	sst s0;
	s0 =	simm.s32 @!p2 $0x0  }
0x16: {  	s3 =	sld [smem:$0x3FDB];
	s0 =	simm.s32 @p2 $0x1  }
0x17: {  	s4 =	simm.s32 $0x1BF5;
	[smem:$0x3FAF] =	sst s0  }
0x18: {  	s0 =	sld [smem:$0x3F92];
	_ =	swait.ge [sflag:s4], $0x0  }
0x19: {  	s7 =	sld [smem:$0x3F93]  }
0x1a: {  	s8 =	sadd.s32 $0xFFFFE003, lr  }
0x1b: {  	s9 =	sadd.s32 $0xFFFFFEF7, lr;
	s5 =	simm.s32 $0xFFFFFFFF;
	p2 =	slt.u32 s8, $0xFFFFF086  }
0x1c: {  	p1 =	slt.u32 s9, $0xF7A;
	s5 =	simm.s32 @!p2 $0x0  }
0x1d: {  	s5 =	simm.s32 @p1 $0x1;
	p0 =	seq.s32 s7, s2  }
0x1e: {  	s7 =	smul.u32 @!p0 $0xF7A, s2;
	p2 =	seq.s32 @!p0 s5, $0x0  }
0x1f: {  	s9 =	smul.u32 $0xF7A, s1;
	s8 =	simm.s32 @!p0 $0x1BF5;
	p2 =	por !p2, p0  }
0x20: {  	[sflag:s8] =	ssyncset.s32 @!p0 $0xFFFFF086;
	s6 =	sadd.s32 @!p0 s3, s7;
	s7 =	simm.s32 @!p0 $0x108  }
0x21: {  	s3 =	sadd.s32 s3, s9;
	s6 =	sadd.s32 @!p0 $0x88, s6;
	s7 =	simm.s32 @p2 $0x1082  }
0x22: {  	[simem:s7], [sflag:s8] =	dma.local @!p0 [hbm:s6], $0xF7A  }
0x23: {  	s9 =	sor.u32 $0xD0000000, s2;
	s6 =	simm.s32 $0x108;
	_ =	swait.ge @!p0 [sflag:s8], $0x0  }
0x24: {  	s3 =	sadd.s32 $0x88, s3;
	s6 =	simm.s32 @!p1 $0x1082;
	[sflag:s4] =	ssyncset.s32 $0xFFFFF086  }
0x25: {  	[simem:s6], [sflag:s4] =	dma.local [hbm:s3], $0xF7A  }
0x26: {  	[smem:$0x3F93] =	sst s1;
	(tag) =	ssettag s2;
	_ =	strace s9  }
0x27: {  	s1 =	sld [smem:$0x3FA3]  }
0x28: {  	s2 =	sld [smem:$0x3FA4]  }
0x29: {  	s4 =	sld [smem:$0x3FA6]  }
0x2a: {  	p0 =	seq.s32 s5, $0x0;
	s5 =	sld [smem:$0x3FA7]  }
0x2b: {  	s6 =	sld [smem:$0x3FA8]  }
0x2c: {  	s7 =	sld [smem:$0x3FA9]  }
0x2d: {  	s3 =	simm.s32 $0x108;
	s8 =	sld [smem:$0x3FAA]  }
0x2e: {  	s3 =	simm.s32 @!p0 $0x1082;
	s9 =	sld [smem:$0x3FAB]  }
0x2f: {  	lr =	sadd.s32 s0, s3;
	s0 =	sld [smem:$0x3FA2]  }
0x30: {  	s3 =	sld [smem:$0x3FA5]  }
0x31: {  	[smem:$0x3FAE] =	sst s10  }
0x32: {  	s10 =	sld [smem:$0x3FAC];
	_ =	sdelay $0x3  }
0x33: {  	p0 =	seq.s32 s10, $0x1;
	s10 =	sld [smem:$0x3FAE];
	_ =	sdelay $0x3  }
0x34: {  	[smem:$0x3FAE] =	sst s10  }
0x35: {  	s10 =	sld [smem:$0x3FAD];
	_ =	sdelay $0x3  }
0x36: {  	p1 =	seq.s32 s10, $0x1;
	s10 =	sld [smem:$0x3FAE];
	_ =	sdelay $0x3  }
0x37: {  	[smem:$0x3FAE] =	sst s10  }
0x38: {  	s10 =	sld [smem:$0x3FAF]  }
0x39: {  	_ = 	snop;
	(pc) =	sbr.ind lr, $3  }
0x3a: {  	_ = 	snop  }
0x3b: {  	_ = 	snop  }
0x3c: {  	p2 =	seq.s32 s10, $0x1;
	s10 =	sld [smem:$0x3FAE]  }
0x3d: {  	_ =	shalt  }
0x3e: {  	_ =	shalt  }
0x3f: {  	_ =	shalt  }
0x40: {  	_ =	shalt  }
0x41: {  	_ =	shalt  }
0x42: {  	_ =	shalt  }
0x43: {  	_ =	shalt  }
0x44: {  	_ =	shalt  }
0x45: {  	_ =	shalt  }
0x46: {  	_ =	shalt  }
0x47: {  	_ =	shalt  }
0x48: {  	_ =	shalt  }
0x49: {  	_ =	shalt  }
0x4a: {  	_ =	shalt  }
0x4b: {  	_ =	shalt  }
0x4c: {  	_ =	shalt  }
0x4d: {  	_ =	shalt  }
0x4e: {  	_ =	shalt  }
0x4f: {  	_ =	shalt  }
0x50: {  	_ =	shalt  }
0x51: {  	_ =	shalt  }
0x52: {  	_ =	shalt  }
0x53: {  	_ =	shalt  }
0x54: {  	_ =	shalt  }
0x55: {  	_ =	shalt  }
0x56: {  	_ =	shalt  }
0x57: {  	_ =	shalt  }
0x58: {  	_ =	shalt  }
0x59: {  	_ =	shalt  }
0x5a: {  	_ =	shalt  }
0x5b: {  	_ =	shalt  }
0x5c: {  	_ =	shalt  }
0x5d: {  	_ =	shalt  }
0x5e: {  	_ =	shalt  }
0x5f: {  	_ =	shalt  }
0x60: {  	_ =	shalt  }
0x61: {  	_ =	shalt  }
0x62: {  	_ =	shalt  }
0x63: {  	_ =	shalt  }
0x64: {  	_ =	shalt  }
0x65: {  	_ =	shalt  }
0x66: {  	_ =	shalt  }
0x67: {  	_ =	shalt  }
0x68: {  	_ =	shalt  }
0x69: {  	_ =	shalt  }
0x6a: {  	_ =	shalt  }
0x6b: {  	_ =	shalt  }
0x6c: {  	_ =	shalt  }
0x6d: {  	_ =	shalt  }
0x6e: {  	_ =	shalt  }
0x6f: {  	_ =	shalt  }
0x70: {  	_ =	shalt  }
0x71: {  	_ =	shalt  }
0x72: {  	_ =	shalt  }
0x73: {  	_ =	shalt  }
0x74: {  	_ =	shalt  }
0x75: {  	_ =	shalt  }
0x76: {  	_ =	shalt  }
0x77: {  	_ =	shalt  }
0x78: {  	_ =	shalt  }
0x79: {  	_ =	shalt  }
0x7a: {  	_ =	shalt  }
0x7b: {  	_ =	shalt  }
0x7c: {  	_ =	shalt  }
0x7d: {  	_ =	shalt  }
0x7e: {  	_ =	shalt  }
0x7f: {  	_ =	shalt  }
0x80: {  	_ =	shalt  }
0x81: {  	_ =	shalt  }
0x82: {  	_ =	shalt  }
0x83: {  	_ =	shalt  }
0x84: {  	_ =	shalt  }
0x85: {  	_ =	shalt  }
0x86: {  	_ =	shalt  }
0x87: {  	_ =	shalt  }
.Lfunc_end0:
.L_simem_size_0:
called_computation_lowered:
.L_overlay_start_0:
0x88: {  	s2 =	sld [smem:$0x3FD9]  }
0x89: {  	s3 =	sld [smem:$0x3FFE];
	_ =	sdelay $0x1  }
0x8a: {  	s1 =	srdreg.scid  }
0x8b: {  	s0 =	sand.u32 $0x1, s1  }
0x8c: {  	s17 =	sshll.u32 s0, $0xA;
	s2 =	sadd.s32 s3, s2  }
0x8d: {  	s2 =	sadd.s32 s2, s17  }
0x8e: {  	[smem:$0x3FBA] =	sst s2  }
0x8f: {  	_ = 	snop  }
0x90: {  	s2 =	sld [smem:$0x3FC6]  }
0x91: {  	s18 =	sld [smem:$0x3FD0];
	(tm) =	ssettm $0x1  }
0x92: {  	s4 =	sld [smem:$0x3FFB];
	_ =	sdelay $0x3  }
0x93: {  	_ =	strace s4  }
0x94: {  	s4 =	sld [smem:$0x3FFC];
	_ =	sdelay $0x3  }
0x95: {  	_ =	strace s4  }
0x96: {  	s4 =	sld [smem:$0x3FFD];
	_ =	sdelay $0x3  }
0x97: {  	_ =	strace s4  }
0x98: {  	_ =	strace $0x8FFFFFFF  }
0x99: {  	s19 =	sld [smem:$0x3FDB];
	_ =	sdelay $0x1  }
0x9a: {  	s5 =	simm.s32 $_scs_section_size  }
0x9b: {  	s6 =	simm.s32 $_size__tile_overlayer_lowered;
	s7 =	simm.s32 $_tile_overlayer_lowered  }
0x9c: {  	s22 =	simm.s32 $0x1BFF;
	s21 =	sshll.u32 s7, $0x1;
	s4 =	sadd.s32 s5, s19  }
0x9d: {  	s8 =	simm.s32 $0x0;
	s20 =	sshll.u32 s6, $0x1;
	s6 =	sadd.s32 s21, s4  }
0x9e: {  	[timem:s8], [sflag:s22] =	dma.local [hbm:s6], s20  }
0x9f: {  	_ =	swait.ge [sflag:s22], s20  }
0xa0: {  	s5 =	ssub.s32 $0x0, s20;
	[sflag:s22] =	ssyncset.done $0x0  }
0xa1: {  	[sflag:s22] =	ssyncadd.s32 s5;
	_ =	sdelay $0x1  }
0xa2: {  	s23 =	simm.s32 $0x1B8B  }
0xa3: {  	_ =	swait.ge [sflag:s23], $0x1  }
0xa4: {  	[sflag:s23] =	ssyncset.done $0x0  }
0xa5: {  	s25 =	simm.s32 $0x1B8E;
	s24 =	sld [smem:$0x3FFE];
	[sflag:s23] =	ssyncadd.s32 $0xFFFFFFFF  }
0xa6: {  	s26 =	simm.s32 $execute0_lowered;
	[smem:$0x3FD2] =	sst s25  }
0xa7: {  	s6 =	sshll.u32 s26, $0x1;
	_ =	strace $0x80000046;
	[dreg:$0x1] =	wrdreg $0xFFFFFFFF  }
0xa8: {  	s28 =	simm.s32 $_size_execute0_lowered;
	s4 =	sadd.s32 s4, s6;
	[dreg:$0x0] =	wrdreg $0x0  }
0xa9: {  	s6 =	sshll.u32 s28, $0x1;
	[dreg:$0x2] =	wrdreg s4  }
0xaa: {  	[dreg:$0x3] =	wrdreg s6  }
0xab: {  	[dreg:$0x4] =	wrdreg $0xC0  }
0xac: {  	_ =	task [dreg:s8], $0x5FFFF  }
0xad: {  	[dreg:$0x1] =	wrdreg $0xFFFFFFFF  }
0xae: {  	[dreg:$0x0] =	wrdreg $0x60  }
0xaf: {  	[dreg:$0x2] =	wrdreg s18  }
0xb0: {  	[dreg:$0x3] =	wrdreg s2  }
0xb1: {  	[dreg:$0x4] =	wrdreg s24  }
0xb2: {  	[dreg:$0x5] =	wrdreg $0x9  }
0xb3: {  	_ =	task.clear_ibuf [dreg:s8], $0x6FFFF;
	_ =	strace $0x90000046  }
0xb4: {  	s29 =	simm.s32 $0x9;
	_ =	strace $0x80000048  }
0xb5: {  	_ =	swait.ge [sflag:s29], $0x1  }
0xb6: {  	[sflag:s29] =	ssyncadd.s32 $0xFFFFFFFF  }
0xb7: {  	_ =	strace $0x90000048  }
0xb8: {  	_ =	sfence  }
0xb9: {  	s30 =	sld [smem:$0x0];
	_ =	sdelay $0x2  }
0xba: {  	s31 =	sshll.u32 s1, $0xD;
	s1 =	sshrl.u32 s1, $0x2  }
0xbb: {  	s3 =	sand.u32 $0x4000, s31;
	s1 =	sadd.s32 s1, s30  }
0xbc: {  	s0 =	sor.u32 s3, s0;
	s1 =	sshll.u32 s1, $0x11  }
0xbd: {  	s0 =	sor.u32 s1, s0  }
0xbe: {  	s0 =	sadd.s32 $0x8F2B, s0  }
0xbf: {  	[sflag:s0] =	ssyncadd.remote.s32 $0x1  }
0xc0: {  	_ =	sfence.sel $0xFFFF  }
0xc1: {  	[dreg:$0x0] =	wrdreg $0xFFFFFFFF;
	(pc) =	sbr.abs _section_cstart, $3  }
0xc2: {  	[dreg:$0x1] =	wrdreg $0xFFFFFFFF  }
0xc3: {  	_ =	task.clear_ibuf [dreg:s8], $0x2FFFF;
	_ =	strace $0x9FFFFFFF  }
0xc4: {  	(tm) =	ssettm $0x7FFFFFFF  }
0xc5: {  	_ =	shalt  }
tec
execute0_lowered:
.L_overlay_start_1:
0x0: {  	(tag) =	ssettag $0x1  }
0x1: {  	s1 =	srdreg.scid;
	s0 =	stileid.u32  }
0x2: {  	s4 =	sand.u32 $0x1, s1;
	s31 =	sshll.u32 s0, $0x1  }
0x3: {  	s1 =	sor.u32 s4, s31  }
0x4: {  	s6 =	smul.u32 $0x50, s1;
	_ =	sdelay $0x1  }
0x5: {  	s8 =	sadd.s32 $0x50, s6  }
0x6: {  	s6 =	sshrl.u32 s6, $0x5;
	s8 =	sshrl.u32 s8, $0x5  }
0x7: {  	p0 =	sle.u32 s8, s6  }
.Ltmp0:
0x8: {  	s7 =	rddreg [dreg:$0x0];
	(pc) =	sbr.rel @p0 .LBB2_5-.Ltmp0, $4  }
0x9: {  	s2 =	rddreg [dreg:$0x1]  }
0xa: {  	s5 =	rddreg [dreg:$0x2];
	s3 =	simm.s32 $0x0  }
0xb: {  	[smem:$0x7FF] =	sst s3  }
0xc: {  	s1 =	rddreg [dreg:$0x3];
	_ =	strace $0x80000047  }
0xd: {  	s4 =	ssub.s32 $0x2, s4;
	s30 =	sadd.s32 $0x1E00, s5  }
0xe: {  	s5 =	ssub.s32 s8, s6;
	s31 =	sshll.u32 s6, $0xB;
	s10 =	sshll.u32 s6, $0x4  }
0xf: {  	s8 =	simm.s32 $0x2;
	s11 =	simm.s32 $0x0;
	s9 =	sshrl.u32 s4, $0x1  }
0x10: {  	s6 =	sadd.s32 s31, s30;
	s7 =	sadd.s32 s10, s7;
	s4 =	ssub.s32 s4, s9  }
0x11: {  	s10 =	simm.s32 $0x1;
	s9 =	simm.s32 $0x80;
	s4 =	smax.u32 s4, $0x1  }
.LBB2_2:
0x12: {  	[tilespmem:s3], [sflag:$0x2] =	stream.linear.gather [hbm4b:s7+s3], $0x80, $0x38;
	[tilespmem:$0x4080] =	vst v63  }
0x13: {  	_ =	swait.ge [sflag:s8], $0x80  }
0x14: {  	[sflag:s8] =	ssyncset.done $0x0  }
0x15: {  	[sflag:s8] =	ssyncadd.s32 $0xFFFFFF80  }
0x16: {  	[tilespmem:s9], [sflag:$0x1] =	stream.indirect.gather [hbm4b:s2+s9], $0x80, s3, s9, $0xb8;
	[tilespmem:$0x4080] =	vst v63  }
0x17: {  	p0 =	sne.s32 s5, $0x1;
	_ =	swait.ge [sflag:s10], $0x4000  }
.Ltmp1:
0x18: {  	[sflag:s10] =	ssyncset.done $0x0;
	(pc) =	sbr.rel @!p0 .LBB2_4-.Ltmp1, $4  }
0x19: {  	[sflag:s10] =	ssyncadd.s32 $0xFFFFC000  }
0x1a: {  	[hbm4b:s6+s3] =	stream.linear.scatter [tilespmem:s9], [sflag:$0x2], $0x4000, $0x38;
	[tilespmem:$0x4080] =	vst v63  }
0x1b: {  	s12 =	sadd.s32 $0xFFFFFFFF, s5;
	_ =	swait.ge [sflag:s8], $0x4000  }
0x1c: {  	s13 =	smov.u32 s6;
	s14 =	smov.u32 s7;
	[sflag:s8] =	ssyncset.done $0x0  }
.LBB2_3:
0x1d: {  	[sflag:s8] =	ssyncadd.s32 $0xFFFFC000;
	s13 =	sadd.s32 $0x800, s13;
	s14 =	sadd.s32 $0x10, s14  }
0x1e: {  	[tilespmem:s3], [sflag:$0x2] =	stream.linear.gather [hbm4b:s14+s3], $0x80, $0x38;
	[tilespmem:$0x4080] =	vst v63  }
0x1f: {  	p0 =	sne.s32 s12, $0x1;
	s12 =	sadd.s32 $0xFFFFFFFF, s12;
	_ =	swait.ge [sflag:s8], $0x80  }
0x20: {  	[sflag:s8] =	ssyncset.done $0x0  }
0x21: {  	[sflag:s8] =	ssyncadd.s32 $0xFFFFFF80  }
0x22: {  	[tilespmem:s9], [sflag:$0x1] =	stream.indirect.gather [hbm4b:s2+s9], $0x80, s3, s9, $0xb8;
	[tilespmem:$0x4080] =	vst v63  }
0x23: {  	_ =	swait.ge [sflag:s10], $0x4000  }
.Ltmp2:
0x24: {  	[sflag:s10] =	ssyncset.done $0x0;
	(pc) =	sbr.rel @p0 .LBB2_3-.Ltmp2, $4  }
0x25: {  	[sflag:s10] =	ssyncadd.s32 $0xFFFFC000  }
0x26: {  	[hbm4b:s13+s3] =	stream.linear.scatter [tilespmem:s9], [sflag:$0x2], $0x4000, $0x38;
	[tilespmem:$0x4080] =	vst v63  }
0x27: {  	_ =	swait.ge [sflag:s8], $0x4000  }
0x28: {  	[sflag:s8] =	ssyncset.done $0x0  }
.LBB2_4:
0x29: {  	s11 =	sadd.s32 $0x1, s11  }
0x2a: {  	p0 =	sne.s32 s11, s4  }
.Ltmp3:
0x2b: {  	_ = 	snop;
	(pc) =	sbr.rel @p0 .LBB2_2-.Ltmp3, $2  }
0x2c: {  	_ =	sdelay $0x2  }
0x2d: {  	[sflag:s8] =	ssyncadd.s32 $0xFFFFC000  }
.LBB2_5:
0x2e: {  	_ =	sfence.sel $0x180000  }
0x2f: {  	[bflag:$0x0] =	sbarrier.arrive $0xFFFF  }
0x30: {  	p0 =	sne.s32 s0, $0x0;
	_ =	strace $0x90000047  }
0x31: {  	s0 =	sadd.s32 @!p0 $0x100000, s1;
	[bflag:$0x2] =	sbarrier.arrive $0xFFFF  }
0x32: {  	[sflag:s0] =	ssyncadd.tile.s32 @!p0 $0x1;
	_ =	shalt  }
.Lfunc_end2:
_tile_overlayer_lowered:
.L_overlay_start_2:
0x33: {  	(tag) =	ssettag $0x2  }
0x34: {  	s0 =	rddreg [dreg:$0x0];
	s2 =	stileid.u32  }
0x35: {  	s1 =	rddreg [dreg:$0x1];
	p0 =	sne.s32 s2, $0x0  }
0x36: {  	s3 =	rddreg [dreg:$0x2];
	[bflag:$0x3] =	sbarrier.arrive $0xFFFF;
	s2 =	simm.s32 @!p0 $0x1C02  }
0x37: {  	[timem:s3], [sflag:s2] =	dma.local @!p0 [hbm:s0], s1  }
0x38: {  	s0 =	simm.s32 @!p0 $0x2  }
0x39: {  	_ =	swait.ge @!p0 [sflag:s0], s1  }
0x3a: {  	s1 =	ssub.s32 @!p0 $0x0, s1;
	[sflag:s0] =	ssyncset.done @!p0 $0x0  }
0x3b: {  	[sflag:s0] =	ssyncadd.s32 @!p0 s1  }
0x3c: {  	[bflag:$0x3] =	sbarrier.arrive $0xFFFF  }
0x3d: {  	_ =	shalt  }

</sc_bundles>
